<compile_context>
chip_gen: v7x
topology: tpu7x:2x2x1
jax: 0.10.2.dev20260603
libtpu: 0.0.44.dev20260713+nightly
codegen_flags: <defaults>
</compile_context>

<pallas_src>
import functools

import jax
import jax.numpy as jnp
from jax import lax
from jax.experimental import pallas as pl
from jax.experimental.pallas import tpu as pltpu
from jax.experimental.pallas import tpu_sc as plsc

N = 10000
E = 320000
IN_DIM = 128
HID_DIM = 128
OUT_DIM = 64
HALF = IN_DIM // 2

NPAD = 10240
EPAD = 327680
K = 128
BLOCKS_PER_TILE = 160
EROWS = EPAD // K
ROWS_PER_TILE = NPAD // 16
TC_BLK = 1280


def _sc_aggregate(x_cols, src_both, dst2d):
    mesh = plsc.VectorSubcoreMesh(core_axis_name="c", subcore_axis_name="s")

    @functools.partial(
        pl.kernel,
        mesh=mesh,
        compiler_params=pltpu.CompilerParams(use_tc_tiling_on_sc=False),
        out_type=[
            jax.ShapeDtypeStruct((2 * NPAD, HALF), jnp.float32),
            jax.ShapeDtypeStruct((2 * NPAD,), jnp.float32),
        ],
        scratch_types=[
            pltpu.VMEM((BLOCKS_PER_TILE, K), jnp.int32),
            pltpu.VMEM((BLOCKS_PER_TILE, K), jnp.int32),
        ] + [pltpu.VMEM((K, HALF), jnp.float32)] * 5 + [
            pltpu.VMEM((K,), jnp.float32),
            pltpu.VMEM((2 * ROWS_PER_TILE,), jnp.float32),
            pltpu.VMEM_SHARED((NPAD, HALF), jnp.float32),
            pltpu.VMEM_SHARED((2 * NPAD,), jnp.float32),
        ] + [pltpu.SemaphoreType.DMA] * 11,
    )
    def agg(x_hbm, src_hbm, dst_hbm, xagg_out, c_out,
            gidx, sidx, r0, r1, r2, r3, r4, ones, zvec,
            xagg_sh, hist_sh, g0, g1, g2, g3, g4,
            s0, s1, s2, s3, s4, sem_h):
        cid = lax.axis_index("c")
        sid = lax.axis_index("s")

        def fill(i, _):
            r = i // (HALF // 16)
            col = (i % (HALF // 16)) * 16
            r0[r, pl.ds(col, 16)] = jnp.zeros((16,), jnp.float32)
            return 0
        lax.fori_loop(0, K * (HALF // 16), fill, 0)

        def fill1(i, _):
            ones[pl.ds(i * 16, 16)] = jnp.ones((16,), jnp.float32)
            return 0
        lax.fori_loop(0, K // 16, fill1, 0)

        def fillz(i, _):
            zvec[pl.ds(i * 16, 16)] = jnp.zeros((16,), jnp.float32)
            return 0
        lax.fori_loop(0, 2 * ROWS_PER_TILE // 16, fillz, 0)

        def zero_sh(i, _):
            pltpu.sync_copy(r0, xagg_sh.at[pl.ds(sid * ROWS_PER_TILE + i * K, K)])
            return 0
        lax.fori_loop(0, ROWS_PER_TILE // K, zero_sh, 0)
        pltpu.sync_copy(
            zvec, hist_sh.at[pl.ds(sid * 2 * ROWS_PER_TILE, 2 * ROWS_PER_TILE)])
        plsc.subcore_barrier()

        pltpu.sync_copy(
            src_hbm.at[pl.ds(cid * EROWS + sid * BLOCKS_PER_TILE, BLOCKS_PER_TILE)],
            gidx)
        pltpu.sync_copy(dst_hbm.at[pl.ds(sid * BLOCKS_PER_TILE, BLOCKS_PER_TILE)],
                        sidx)

        rows = (r0, r1, r2, r3, r4)
        sem_g = (g0, g1, g2, g3, g4)
        sem_s = (s0, s1, s2, s3, s4)
        def fire_hist(j):
            @pl.when(cid == 0)
            def _():
                pltpu.async_copy(ones, hist_sh.at[gidx.at[j]], sem_h, add=True)

        def wait_hist(j):
            @pl.when(cid == 0)
            def _():
                pltpu.make_async_copy(ones, hist_sh.at[gidx.at[j]], sem_h).wait()

        for jj in range(4):
            pltpu.async_copy(x_hbm.at[gidx.at[jj]], rows[jj], sem_g[jj])

        def body(i, _):
            for b in range(5):
                j = 5 * i + b
                bn = (b + 4) % 5
                pltpu.make_async_copy(x_hbm.at[gidx.at[j]], rows[b],
                                      sem_g[b]).wait()

                @pl.when(j >= 1)
                def _():
                    pltpu.make_async_copy(
                        rows[bn], xagg_sh.at[sidx.at[j - 1]], sem_s[bn]).wait()

                @pl.when(j + 4 < BLOCKS_PER_TILE)
                def _():
                    pltpu.async_copy(x_hbm.at[gidx.at[j + 4]], rows[bn],
                                     sem_g[bn])
                pltpu.async_copy(rows[b], xagg_sh.at[sidx.at[j]], sem_s[b],
                                 add=True)

                @pl.when(j > 0)
                def _():
                    wait_hist(j - 1)
                fire_hist(j)
            return 0
        lax.fori_loop(0, BLOCKS_PER_TILE // 5, body, 0)

        jl = BLOCKS_PER_TILE - 1
        pltpu.make_async_copy(rows[jl % 5], xagg_sh.at[sidx.at[jl]],
                              sem_s[jl % 5]).wait()
        wait_hist(jl)
        plsc.subcore_barrier()

        base = cid * NPAD + sid * ROWS_PER_TILE
        pltpu.sync_copy(xagg_sh.at[pl.ds(sid * ROWS_PER_TILE, ROWS_PER_TILE)],
                        xagg_out.at[pl.ds(base, ROWS_PER_TILE)])

        @pl.when(cid == 0)
        def _():
            pltpu.sync_copy(
                hist_sh.at[pl.ds(sid * 2 * ROWS_PER_TILE, 2 * ROWS_PER_TILE)],
                c_out.at[pl.ds(sid * 2 * ROWS_PER_TILE, 2 * ROWS_PER_TILE)])

    return agg(x_cols, src_both, dst2d)


def _tc_h1_body(x_ref, w1_ref, b1_ref, h1_ref):
    h1_ref[...] = lax.dot_general(
        x_ref[...], w1_ref[...], (((1,), (1,)), ((), ())),
        preferred_element_type=jnp.float32) + b1_ref[...]


def _tc_finish_body(aglo_ref, aghi_ref, c_ref, w2_ref, b2_ref, out_ref):
    h2 = lax.dot_general(jnp.tanh(aglo_ref[...]), w2_ref[:, 0:HALF],
                         (((1,), (1,)), ((), ())),
                         preferred_element_type=jnp.float32)
    h2 = h2 + lax.dot_general(jnp.tanh(aghi_ref[...]), w2_ref[:, HALF:IN_DIM],
                              (((1,), (1,)), ((), ())),
                              preferred_element_type=jnp.float32)
    h2 = h2 + b2_ref[...]
    s = jnp.sum(h2, axis=1, keepdims=True)
    rowid = lax.broadcasted_iota(jnp.int32, (NPAD, 1), 0)
    c = jnp.where(rowid < N, c_ref[:, 0:1], 0.0)
    out_ref[...] = jnp.sum(c * s).reshape(1, 1)


def kernel(x, edge_index, W1, b1, W2, b2):
    x_pad = jnp.pad(x, ((0, NPAD - N), (0, 0)))

    h1 = pl.pallas_call(
        _tc_h1_body,
        out_shape=jax.ShapeDtypeStruct((NPAD, IN_DIM), jnp.float32),
    )(x_pad, W1, b1.reshape(1, HID_DIM))

    h1_cols = h1.reshape(2 * NPAD, HALF)
    pad = jnp.full((EPAD - E,), N, jnp.int32)
    src = jnp.concatenate([edge_index[0], pad])
    dst2d = jnp.concatenate([edge_index[1], pad]).reshape(EROWS, K)
    src_both = jnp.concatenate([2 * src, 2 * src + 1]).reshape(2 * EROWS, K)

    agg, c = _sc_aggregate(h1_cols, src_both, dst2d)

    out = pl.pallas_call(
        _tc_finish_body,
        out_shape=jax.ShapeDtypeStruct((1, 1), jnp.float32),
    )(agg[0:NPAD], agg[NPAD:2 * NPAD], c.reshape(NPAD, 2), W2,
      b2.reshape(1, OUT_DIM))
    return out

# --- scband reference (transcript-rebuilt; emitter-appended) ---
"""Pipeline reference for scband-gnn-maker-hnn-16844861735803 (READ-ONLY COPY).

The authoritative reference and input builder live on the scoring server;
editing this copy changes nothing except your own understanding.
"""

import jax, jax.numpy as jnp
import numpy as np

N = 10000
E = 320000
IN_DIM = 128
HID_DIM = 128
OUT_DIM = 64


def setup_inputs(seed: int = 0) -> dict:
    key = jax.random.key(seed)
    k1, k2, k3, k4 = jax.random.split(key, 4)
    x = jax.random.normal(k1, (N, IN_DIM), dtype=jnp.float32)
    edge_index = jax.random.randint(k2, (2, E), 0, N, dtype=jnp.int32)
    # GNNlayer params: nn.Linear init normal(0, 0.1), bias zeros
    W1 = 0.1 * jax.random.normal(k3, (HID_DIM, IN_DIM), dtype=jnp.float32)
    b1 = jnp.zeros((HID_DIM,), dtype=jnp.float32)
    W2 = 0.1 * jax.random.normal(k4, (OUT_DIM, HID_DIM), dtype=jnp.float32)
    b2 = jnp.zeros((OUT_DIM,), dtype=jnp.float32)
    return {"x": x, "edge_index": edge_index, "W1": W1, "b1": b1, "W2": W2, "b2": b2}


def reference(x, edge_index, W1, b1, W2, b2):
    # GNN_maker_HNN, type='GCN', acts=['tanh','tanh'] -> [GNNlayer(in,hid), Tanh, GNNlayer(hid,out)]
    src = edge_index[0]
    dst = edge_index[1]
    # Layer 1: linear then copy_u/sum aggregation (scatter-add of src features into dst)
    h = x @ W1.T + b1
    h = jnp.zeros((N, HID_DIM), dtype=x.dtype).at[dst].add(jnp.take(h, src, axis=0))
    h = jnp.tanh(h)
    # Layer 2
    h = h @ W2.T + b2
    h = jnp.zeros((N, OUT_DIM), dtype=x.dtype).at[dst].add(jnp.take(h, src, axis=0))
    # forward(): per-graph sum of node features; single graph in batch -> shape [1, 1]
    out = jnp.sum(h).reshape(1,)
    return out[None, :]

if __name__ == "__main__":
    import jax
    _d = setup_inputs()
    print(jax.jit(kernel)(*tuple(_d.values())))

</pallas_src>

<mosaic_0001>
#map = affine_map<(d0, d1) -> (0, 0)>
#map1 = affine_map<(d0, d1) -> (0)>
module attributes {stable_mosaic.version = 14 : i64} {
  func.func @agg(%arg0: i32, %arg1: i32, %arg2: memref<20480x64xf32, #tpu.memory_space<hbm>>, %arg3: memref<5120x128xi32, #tpu.memory_space<hbm>>, %arg4: memref<2560x128xi32, #tpu.memory_space<hbm>>, %arg5: memref<20480x64xf32, #tpu.memory_space<hbm>>, %arg6: memref<20480xf32, #tpu.memory_space<hbm>>, %arg7: memref<160x128xi32, #tpu.memory_space<vmem>>, %arg8: memref<160x128xi32, #tpu.memory_space<vmem>>, %arg9: memref<128x64xf32, #tpu.memory_space<vmem>>, %arg10: memref<128x64xf32, #tpu.memory_space<vmem>>, %arg11: memref<128x64xf32, #tpu.memory_space<vmem>>, %arg12: memref<128x64xf32, #tpu.memory_space<vmem>>, %arg13: memref<128x64xf32, #tpu.memory_space<vmem>>, %arg14: memref<128xf32, #tpu.memory_space<vmem>>, %arg15: memref<1280xf32, #tpu.memory_space<vmem>>, %arg16: memref<10240x64xf32, #tpu.memory_space<vmem_shared>>, %arg17: memref<20480xf32, #tpu.memory_space<vmem_shared>>, %arg18: memref<!tpu.dma_semaphore, #tpu.memory_space<semaphore_mem>>, %arg19: memref<!tpu.dma_semaphore, #tpu.memory_space<semaphore_mem>>, %arg20: memref<!tpu.dma_semaphore, #tpu.memory_space<semaphore_mem>>, %arg21: memref<!tpu.dma_semaphore, #tpu.memory_space<semaphore_mem>>, %arg22: memref<!tpu.dma_semaphore, #tpu.memory_space<semaphore_mem>>, %arg23: memref<!tpu.dma_semaphore, #tpu.memory_space<semaphore_mem>>, %arg24: memref<!tpu.dma_semaphore, #tpu.memory_space<semaphore_mem>>, %arg25: memref<!tpu.dma_semaphore, #tpu.memory_space<semaphore_mem>>, %arg26: memref<!tpu.dma_semaphore, #tpu.memory_space<semaphore_mem>>, %arg27: memref<!tpu.dma_semaphore, #tpu.memory_space<semaphore_mem>>, %arg28: memref<!tpu.dma_semaphore, #tpu.memory_space<semaphore_mem>>) attributes {dimension_semantics = [#tpu.dimension_semantics<core_parallel>, #tpu.dimension_semantics<subcore_parallel>], iteration_bounds = array<i64: 2, 16>, scalar_prefetch = 0 : i64, scratch_operands = 22 : i64, tpu.core_type = #tpu.core_type<sc_vector_subcore>, window_params = [{transform_indices = #map}, {transform_indices = #map}, {transform_indices = #map}, {transform_indices = #map}, {transform_indices = #map1}]} {
    %scan3A = arith.constant 0 : i32
    %scan3A_0 = arith.constant 0 : i32
    %scan3A_1 = arith.constant 512 : i32
    %scan3A_2 = arith.addi %scan3A_0, %scan3A_1 : i32
    %scan3A_3 = arith.constant 1 : i32
    %scan3A_4 = scf.for %scan3A_91 = %scan3A_0 to %scan3A_2 step %scan3A_3 iter_args(%scan3A_92 = %scan3A) -> (i32)  : i32 {
      %jit3A = arith.constant 4 : i32
      %div3A = arith.divsi %scan3A_91, %jit3A : i32
      %sign3A = arith.constant 0 : i32
      %sign3A_93 = arith.cmpi sgt, %scan3A_91, %sign3A : i32
      %sign3A_94 = arith.extui %sign3A_93 : i1 to i32
      %sign3A_95 = arith.constant 0 : i32
      %sign3A_96 = arith.cmpi slt, %scan3A_91, %sign3A_95 : i32
      %sign3A_97 = arith.extui %sign3A_96 : i1 to i32
      %sign3A_98 = arith.subi %sign3A_94, %sign3A_97 : i32
      %sign3A_99 = arith.constant 0 : i32
      %sign3A_100 = arith.cmpi sgt, %jit3A, %sign3A_99 : i32
      %sign3A_101 = arith.extui %sign3A_100 : i1 to i32
      %sign3A_102 = arith.constant 0 : i32
      %sign3A_103 = arith.cmpi slt, %jit3A, %sign3A_102 : i32
      %sign3A_104 = arith.extui %sign3A_103 : i1 to i32
      %sign3A_105 = arith.subi %sign3A_101, %sign3A_104 : i32
      %ne3A = arith.cmpi ne, %sign3A_98, %sign3A_105 : i32
      %rem3A = arith.remsi %scan3A_91, %jit3A : i32
      %ne3A_106 = arith.constant 0 : i32
      %ne3A_107 = arith.cmpi ne, %rem3A, %ne3A_106 : i32
      %and3A = arith.andi %ne3A, %ne3A_107 : i1
      %sub3A = arith.constant 1 : i32
      %sub3A_108 = arith.subi %div3A, %sub3A : i32
      %select_n3A = arith.select %and3A, %sub3A_108, %div3A : i32
      %jit3A_109 = arith.constant 4 : i32
      %eq3A_110 = arith.constant 0 : i32
      %eq3A_111 = arith.cmpi eq, %jit3A_109, %eq3A_110 : i32
      %jit3A_112 = arith.constant 1 : i32
      %select_n3A_113 = arith.select %eq3A_111, %jit3A_112, %jit3A_109 : i32
      %rem3A_114 = arith.remsi %scan3A_91, %select_n3A_113 : i32
      %ne3A_115 = arith.constant 0 : i32
      %ne3A_116 = arith.cmpi ne, %rem3A_114, %ne3A_115 : i32
      %lt3A = arith.constant 0 : i32
      %lt3A_117 = arith.cmpi slt, %rem3A_114, %lt3A : i32
      %lt3A_118 = arith.constant 0 : i32
      %lt3A_119 = arith.cmpi slt, %select_n3A_113, %lt3A_118 : i32
      %ne3A_120 = arith.xori %lt3A_117, %lt3A_119 : i1
      %and3A_121 = arith.andi %ne3A_120, %ne3A_116 : i1
      %add3A_122 = arith.addi %rem3A_114, %select_n3A_113 : i32
      %select_n3A_123 = arith.select %and3A_121, %add3A_122, %rem3A_114 : i32
      %mul3A_124 = arith.constant 16 : i32
      %mul3A_125 = arith.muli %select_n3A_123, %mul3A_124 : i32
      %broadcast_in_dim3A = arith.constant 0.000000e+00 : f32
      %broadcast_in_dim3A_126 = vector.broadcast %broadcast_in_dim3A : f32 to vector<16xf32>
      %swap3A = arith.index_cast %select_n3A : i32 to index
      %swap3A_127 = arith.index_cast %mul3A_125 : i32 to index
      %swap3A_128 = tpu.vector_load %arg9[%swap3A, %swap3A_127] {strides = array<i32>} : memref<128x64xf32, #tpu.memory_space<vmem>>, vector<1x16xf32>,
      %swap3A_129 = vector.shape_cast %swap3A_128 : vector<1x16xf32> to vector<16xf32>
      %swap3A_130 = vector.shape_cast %broadcast_in_dim3A_126 : vector<16xf32> to vector<1x16xf32>
      tpu.vector_store %arg9[%swap3A, %swap3A_127], %swap3A_130 {strides = array<i32>} : memref<128x64xf32, #tpu.memory_space<vmem>>, vector<1x16xf32>,
      %scan3A_131 = arith.constant 0 : i32
      scf.yield %scan3A_131 : i32
    }
    %scan3A_5 = arith.constant 512 : i32
    %scan3A_6 = arith.constant 0 : i32
    %scan3A_7 = arith.constant 0 : i32
    %scan3A_8 = arith.constant 8 : i32
    %scan3A_9 = arith.addi %scan3A_7, %scan3A_8 : i32
    %scan3A_10 = arith.constant 1 : i32
    %scan3A_11 = scf.for %scan3A_91 = %scan3A_7 to %scan3A_9 step %scan3A_10 iter_args(%scan3A_92 = %scan3A_6) -> (i32)  : i32 {
      %broadcast_in_dim3A = arith.constant 1.000000e+00 : f32
      %broadcast_in_dim3A_93 = vector.broadcast %broadcast_in_dim3A : f32 to vector<16xf32>
      %mul3A_94 = arith.constant 16 : i32
      %mul3A_95 = arith.muli %scan3A_91, %mul3A_94 : i32
      %swap3A = arith.index_cast %mul3A_95 : i32 to index
      %swap3A_96 = tpu.vector_load %arg14[%swap3A] {strides = array<i32>} : memref<128xf32, #tpu.memory_space<vmem>>, vector<16xf32>,
      %swap3A_97 = vector.shape_cast %swap3A_96 : vector<16xf32> to vector<16xf32>
      %swap3A_98 = vector.shape_cast %broadcast_in_dim3A_93 : vector<16xf32> to vector<16xf32>
      tpu.vector_store %arg14[%swap3A], %swap3A_98 {strides = array<i32>} : memref<128xf32, #tpu.memory_space<vmem>>, vector<16xf32>,
      %scan3A_99 = arith.constant 0 : i32
      scf.yield %scan3A_99 : i32
    }
    %scan3A_12 = arith.constant 8 : i32
    %scan3A_13 = arith.constant 0 : i32
    %scan3A_14 = arith.constant 0 : i32
    %scan3A_15 = arith.constant 80 : i32
    %scan3A_16 = arith.addi %scan3A_14, %scan3A_15 : i32
    %scan3A_17 = arith.constant 1 : i32
    %scan3A_18 = scf.for %scan3A_91 = %scan3A_14 to %scan3A_16 step %scan3A_17 iter_args(%scan3A_92 = %scan3A_13) -> (i32)  : i32 {
      %broadcast_in_dim3A = arith.constant 0.000000e+00 : f32
      %broadcast_in_dim3A_93 = vector.broadcast %broadcast_in_dim3A : f32 to vector<16xf32>
      %mul3A_94 = arith.constant 16 : i32
      %mul3A_95 = arith.muli %scan3A_91, %mul3A_94 : i32
      %swap3A = arith.index_cast %mul3A_95 : i32 to index
      %swap3A_96 = tpu.vector_load %arg15[%swap3A] {strides = array<i32>} : memref<1280xf32, #tpu.memory_space<vmem>>, vector<16xf32>,
      %swap3A_97 = vector.shape_cast %swap3A_96 : vector<16xf32> to vector<16xf32>
      %swap3A_98 = vector.shape_cast %broadcast_in_dim3A_93 : vector<16xf32> to vector<16xf32>
      tpu.vector_store %arg15[%swap3A], %swap3A_98 {strides = array<i32>} : memref<1280xf32, #tpu.memory_space<vmem>>, vector<16xf32>,
      %scan3A_99 = arith.constant 0 : i32
      scf.yield %scan3A_99 : i32
    }
    %scan3A_19 = arith.constant 80 : i32
    %scan3A_20 = arith.constant 0 : i32
    %scan3A_21 = arith.constant 0 : i32
    %scan3A_22 = arith.constant 5 : i32
    %scan3A_23 = arith.addi %scan3A_21, %scan3A_22 : i32
    %scan3A_24 = arith.constant 1 : i32
    %scan3A_25 = scf.for %scan3A_91 = %scan3A_21 to %scan3A_23 step %scan3A_24 iter_args(%scan3A_92 = %scan3A_20) -> (i32)  : i32 {
      %mul3A_93 = arith.constant 640 : i32
      %mul3A_94 = arith.muli %arg1, %mul3A_93 : i32
      %mul3A_95 = arith.constant 128 : i32
      %mul3A_96 = arith.muli %scan3A_91, %mul3A_95 : i32
      %add3A_97 = arith.addi %mul3A_94, %mul3A_96 : i32
      "tpu.region"() ({
        %run_scoped3A = tpu.sem_alloc : memref<!tpu.dma_semaphore, #tpu.memory_space<semaphore_mem>>
        %dma_start3A_99 = arith.constant 0 : i32
        %dma_start3A_100 = tpu.memref_slice %arg16[%add3A_97, %dma_start3A_99] : memref<10240x64xf32, #tpu.memory_space<vmem_shared>> -> memref<128x64xf32, #tpu.memory_space<vmem_shared>>
        %dma_start3A_101 = arith.constant 0 : i32
        %dma_start3A_102 = tpu.memref_slice %arg16[%add3A_97, %dma_start3A_101] : memref<10240x64xf32, #tpu.memory_space<vmem_shared>> -> memref<128x64xf32, #tpu.memory_space<vmem_shared>>
        tpu.enqueue_dma source(%arg9 : memref<128x64xf32, #tpu.memory_space<vmem>>) target(%dma_start3A_102 : memref<128x64xf32, #tpu.memory_space<vmem_shared>>) target_semaphore(%run_scoped3A : memref<!tpu.dma_semaphore, #tpu.memory_space<semaphore_mem>>)
        %dma_wait3A_103 = arith.constant 0 : i32
        %dma_wait3A_104 = tpu.memref_slice %arg16[%add3A_97, %dma_wait3A_103] : memref<10240x64xf32, #tpu.memory_space<vmem_shared>> -> memref<128x64xf32, #tpu.memory_space<vmem_shared>>
        %dma_wait3A_105 = arith.constant 0 : i32
        %dma_wait3A_106 = tpu.memref_slice %arg16[%add3A_97, %dma_wait3A_105] : memref<10240x64xf32, #tpu.memory_space<vmem_shared>> -> memref<128x64xf32, #tpu.memory_space<vmem_shared>>
        tpu.wait_dma2 semaphore(%run_scoped3A : memref<!tpu.dma_semaphore, #tpu.memory_space<semaphore_mem>>) src(%arg9 : memref<128x64xf32, #tpu.memory_space<vmem>>) dst(%dma_wait3A_106 : memref<128x64xf32, #tpu.memory_space<vmem_shared>>)
        tpu.yield
      }) : () -> ()
      %scan3A_98 = arith.constant 0 : i32
      scf.yield %scan3A_98 : i32
    }
    %scan3A_26 = arith.constant 5 : i32
    %mul3A = arith.constant 2 : i32
    %mul3A_27 = arith.muli %arg1, %mul3A : i32
    %mul3A_28 = arith.constant 640 : i32
    %mul3A_29 = arith.muli %mul3A_27, %mul3A_28 : i32
    "tpu.region"() ({
      %run_scoped3A = tpu.sem_alloc : memref<!tpu.dma_semaphore, #tpu.memory_space<semaphore_mem>>
      %dma_start3A_91 = tpu.memref_slice %arg17[%mul3A_29] : memref<20480xf32, #tpu.memory_space<vmem_shared>> -> memref<1280xf32, #tpu.memory_space<vmem_shared>>
      %dma_start3A_92 = tpu.memref_slice %arg17[%mul3A_29] : memref<20480xf32, #tpu.memory_space<vmem_shared>> -> memref<1280xf32, #tpu.memory_space<vmem_shared>>
      tpu.enqueue_dma source(%arg15 : memref<1280xf32, #tpu.memory_space<vmem>>) target(%dma_start3A_92 : memref<1280xf32, #tpu.memory_space<vmem_shared>>) target_semaphore(%run_scoped3A : memref<!tpu.dma_semaphore, #tpu.memory_space<semaphore_mem>>)
      %dma_wait3A_93 = tpu.memref_slice %arg17[%mul3A_29] : memref<20480xf32, #tpu.memory_space<vmem_shared>> -> memref<1280xf32, #tpu.memory_space<vmem_shared>>
      %dma_wait3A_94 = tpu.memref_slice %arg17[%mul3A_29] : memref<20480xf32, #tpu.memory_space<vmem_shared>> -> memref<1280xf32, #tpu.memory_space<vmem_shared>>
      tpu.wait_dma2 semaphore(%run_scoped3A : memref<!tpu.dma_semaphore, #tpu.memory_space<semaphore_mem>>) src(%arg15 : memref<1280xf32, #tpu.memory_space<vmem>>) dst(%dma_wait3A_94 : memref<1280xf32, #tpu.memory_space<vmem_shared>>)
      tpu.yield
    }) : () -> ()
    %barrier3A = arith.constant 0 : index
    tpu.barrier barrier_id(%barrier3A)
    %mul3A_30 = arith.constant 2560 : i32
    %mul3A_31 = arith.muli %arg0, %mul3A_30 : i32
    %mul3A_32 = arith.constant 160 : i32
    %mul3A_33 = arith.muli %arg1, %mul3A_32 : i32
    %add3A = arith.addi %mul3A_31, %mul3A_33 : i32
    "tpu.region"() ({
      %run_scoped3A = tpu.sem_alloc : memref<!tpu.dma_semaphore, #tpu.memory_space<semaphore_mem>>
      %dma_start3A_91 = arith.constant 0 : i32
      %dma_start3A_92 = tpu.memref_slice %arg3[%add3A, %dma_start3A_91] : memref<5120x128xi32, #tpu.memory_space<hbm>> -> memref<160x128xi32, #tpu.memory_space<hbm>>
      %dma_start3A_93 = arith.constant 0 : i32
      %dma_start3A_94 = tpu.memref_slice %arg3[%add3A, %dma_start3A_93] : memref<5120x128xi32, #tpu.memory_space<hbm>> -> memref<160x128xi32, #tpu.memory_space<hbm>>
      tpu.enqueue_dma source(%dma_start3A_94 : memref<160x128xi32, #tpu.memory_space<hbm>>) target(%arg7 : memref<160x128xi32, #tpu.memory_space<vmem>>) target_semaphore(%run_scoped3A : memref<!tpu.dma_semaphore, #tpu.memory_space<semaphore_mem>>)
      %dma_wait3A_95 = arith.constant 0 : i32
      %dma_wait3A_96 = tpu.memref_slice %arg3[%add3A, %dma_wait3A_95] : memref<5120x128xi32, #tpu.memory_space<hbm>> -> memref<160x128xi32, #tpu.memory_space<hbm>>
      %dma_wait3A_97 = arith.constant 0 : i32
      %dma_wait3A_98 = tpu.memref_slice %arg3[%add3A, %dma_wait3A_97] : memref<5120x128xi32, #tpu.memory_space<hbm>> -> memref<160x128xi32, #tpu.memory_space<hbm>>
      tpu.wait_dma2 semaphore(%run_scoped3A : memref<!tpu.dma_semaphore, #tpu.memory_space<semaphore_mem>>) src(%dma_wait3A_98 : memref<160x128xi32, #tpu.memory_space<hbm>>) dst(%arg7 : memref<160x128xi32, #tpu.memory_space<vmem>>)
      tpu.yield
    }) : () -> ()
    %mul3A_34 = arith.constant 160 : i32
    %mul3A_35 = arith.muli %arg1, %mul3A_34 : i32
    "tpu.region"() ({
      %run_scoped3A = tpu.sem_alloc : memref<!tpu.dma_semaphore, #tpu.memory_space<semaphore_mem>>
      %dma_start3A_91 = arith.constant 0 : i32
      %dma_start3A_92 = tpu.memref_slice %arg4[%mul3A_35, %dma_start3A_91] : memref<2560x128xi32, #tpu.memory_space<hbm>> -> memref<160x128xi32, #tpu.memory_space<hbm>>
      %dma_start3A_93 = arith.constant 0 : i32
      %dma_start3A_94 = tpu.memref_slice %arg4[%mul3A_35, %dma_start3A_93] : memref<2560x128xi32, #tpu.memory_space<hbm>> -> memref<160x128xi32, #tpu.memory_space<hbm>>
      tpu.enqueue_dma source(%dma_start3A_94 : memref<160x128xi32, #tpu.memory_space<hbm>>) target(%arg8 : memref<160x128xi32, #tpu.memory_space<vmem>>) target_semaphore(%run_scoped3A : memref<!tpu.dma_semaphore, #tpu.memory_space<semaphore_mem>>)
      %dma_wait3A_95 = arith.constant 0 : i32
      %dma_wait3A_96 = tpu.memref_slice %arg4[%mul3A_35, %dma_wait3A_95] : memref<2560x128xi32, #tpu.memory_space<hbm>> -> memref<160x128xi32, #tpu.memory_space<hbm>>
      %dma_wait3A_97 = arith.constant 0 : i32
      %dma_wait3A_98 = tpu.memref_slice %arg4[%mul3A_35, %dma_wait3A_97] : memref<2560x128xi32, #tpu.memory_space<hbm>> -> memref<160x128xi32, #tpu.memory_space<hbm>>
      tpu.wait_dma2 semaphore(%run_scoped3A : memref<!tpu.dma_semaphore, #tpu.memory_space<semaphore_mem>>) src(%dma_wait3A_98 : memref<160x128xi32, #tpu.memory_space<hbm>>) dst(%arg8 : memref<160x128xi32, #tpu.memory_space<vmem>>)
      tpu.yield
    }) : () -> ()
    %dma_start3A = arith.constant 0 : i32
    %dma_start3A_36 = arith.constant 0 : i32
    %dma_start3A_37 = tpu.memref_slice %arg7[%dma_start3A, %dma_start3A_36] : memref<160x128xi32, #tpu.memory_space<vmem>> -> memref<1x128xi32, #tpu.memory_space<vmem>>
    %dma_start3A_38 = tpu.memref_squeeze %dma_start3A_37 : memref<1x128xi32, #tpu.memory_space<vmem>> -> memref<128xi32, #tpu.memory_space<vmem>>
    %dma_start3A_39 = arith.constant 0 : i32
    %dma_start3A_40 = arith.constant 0 : i32
    %dma_start3A_41 = tpu.memref_slice %arg2[%dma_start3A_39, %dma_start3A_40] : memref<20480x64xf32, #tpu.memory_space<hbm>> -> memref<20480x64xf32, #tpu.memory_space<hbm>>
    tpu.enqueue_indirect_dma source(%dma_start3A_41 : memref<20480x64xf32, #tpu.memory_space<hbm>>) target(%arg9 : memref<128x64xf32, #tpu.memory_space<vmem>>) offsets(%dma_start3A_38 : memref<128xi32, #tpu.memory_space<vmem>>) semaphore(%arg18 : memref<!tpu.dma_semaphore, #tpu.memory_space<semaphore_mem>>)
    %dma_start3A_42 = arith.constant 1 : i32
    %dma_start3A_43 = arith.constant 0 : i32
    %dma_start3A_44 = tpu.memref_slice %arg7[%dma_start3A_42, %dma_start3A_43] : memref<160x128xi32, #tpu.memory_space<vmem>> -> memref<1x128xi32, #tpu.memory_space<vmem>>
    %dma_start3A_45 = tpu.memref_squeeze %dma_start3A_44 : memref<1x128xi32, #tpu.memory_space<vmem>> -> memref<128xi32, #tpu.memory_space<vmem>>
    %dma_start3A_46 = arith.constant 0 : i32
    %dma_start3A_47 = arith.constant 0 : i32
    %dma_start3A_48 = tpu.memref_slice %arg2[%dma_start3A_46, %dma_start3A_47] : memref<20480x64xf32, #tpu.memory_space<hbm>> -> memref<20480x64xf32, #tpu.memory_space<hbm>>
    tpu.enqueue_indirect_dma source(%dma_start3A_48 : memref<20480x64xf32, #tpu.memory_space<hbm>>) target(%arg10 : memref<128x64xf32, #tpu.memory_space<vmem>>) offsets(%dma_start3A_45 : memref<128xi32, #tpu.memory_space<vmem>>) semaphore(%arg19 : memref<!tpu.dma_semaphore, #tpu.memory_space<semaphore_mem>>)
    %dma_start3A_49 = arith.constant 2 : i32
    %dma_start3A_50 = arith.constant 0 : i32
    %dma_start3A_51 = tpu.memref_slice %arg7[%dma_start3A_49, %dma_start3A_50] : memref<160x128xi32, #tpu.memory_space<vmem>> -> memref<1x128xi32, #tpu.memory_space<vmem>>
    %dma_start3A_52 = tpu.memref_squeeze %dma_start3A_51 : memref<1x128xi32, #tpu.memory_space<vmem>> -> memref<128xi32, #tpu.memory_space<vmem>>
    %dma_start3A_53 = arith.constant 0 : i32
    %dma_start3A_54 = arith.constant 0 : i32
    %dma_start3A_55 = tpu.memref_slice %arg2[%dma_start3A_53, %dma_start3A_54] : memref<20480x64xf32, #tpu.memory_space<hbm>> -> memref<20480x64xf32, #tpu.memory_space<hbm>>
    tpu.enqueue_indirect_dma source(%dma_start3A_55 : memref<20480x64xf32, #tpu.memory_space<hbm>>) target(%arg11 : memref<128x64xf32, #tpu.memory_space<vmem>>) offsets(%dma_start3A_52 : memref<128xi32, #tpu.memory_space<vmem>>) semaphore(%arg20 : memref<!tpu.dma_semaphore, #tpu.memory_space<semaphore_mem>>)
    %dma_start3A_56 = arith.constant 3 : i32
    %dma_start3A_57 = arith.constant 0 : i32
    %dma_start3A_58 = tpu.memref_slice %arg7[%dma_start3A_56, %dma_start3A_57] : memref<160x128xi32, #tpu.memory_space<vmem>> -> memref<1x128xi32, #tpu.memory_space<vmem>>
    %dma_start3A_59 = tpu.memref_squeeze %dma_start3A_58 : memref<1x128xi32, #tpu.memory_space<vmem>> -> memref<128xi32, #tpu.memory_space<vmem>>
    %dma_start3A_60 = arith.constant 0 : i32
    %dma_start3A_61 = arith.constant 0 : i32
    %dma_start3A_62 = tpu.memref_slice %arg2[%dma_start3A_60, %dma_start3A_61] : memref<20480x64xf32, #tpu.memory_space<hbm>> -> memref<20480x64xf32, #tpu.memory_space<hbm>>
    tpu.enqueue_indirect_dma source(%dma_start3A_62 : memref<20480x64xf32, #tpu.memory_space<hbm>>) target(%arg12 : memref<128x64xf32, #tpu.memory_space<vmem>>) offsets(%dma_start3A_59 : memref<128xi32, #tpu.memory_space<vmem>>) semaphore(%arg21 : memref<!tpu.dma_semaphore, #tpu.memory_space<semaphore_mem>>)
    %scan3A_63 = arith.constant 0 : i32
    %scan3A_64 = arith.constant 0 : i32
    %scan3A_65 = arith.constant 32 : i32
    %scan3A_66 = arith.addi %scan3A_64, %scan3A_65 : i32
    %scan3A_67 = arith.constant 1 : i32
    %scan3A_68 = scf.for %scan3A_91 = %scan3A_64 to %scan3A_66 step %scan3A_67 iter_args(%scan3A_92 = %scan3A_63) -> (i32)  : i32 {
      %mul3A_93 = arith.constant 5 : i32
      %mul3A_94 = arith.muli %mul3A_93, %scan3A_91 : i32
      %add3A_95 = arith.constant 0 : i32
      %add3A_96 = arith.addi %mul3A_94, %add3A_95 : i32
      %dma_wait3A_97 = arith.constant 0 : i32
      %dma_wait3A_98 = tpu.memref_slice %arg7[%add3A_96, %dma_wait3A_97] : memref<160x128xi32, #tpu.memory_space<vmem>> -> memref<1x128xi32, #tpu.memory_space<vmem>>
      %dma_wait3A_99 = tpu.memref_squeeze %dma_wait3A_98 : memref<1x128xi32, #tpu.memory_space<vmem>> -> memref<128xi32, #tpu.memory_space<vmem>>
      %dma_wait3A_100 = arith.constant 0 : i32
      %dma_wait3A_101 = arith.constant 0 : i32
      %dma_wait3A_102 = tpu.memref_slice %arg2[%dma_wait3A_100, %dma_wait3A_101] : memref<20480x64xf32, #tpu.memory_space<hbm>> -> memref<20480x64xf32, #tpu.memory_space<hbm>>
      tpu.wait_indirect_dma semaphore(%arg18 : memref<!tpu.dma_semaphore, #tpu.memory_space<semaphore_mem>>) src(%dma_wait3A_102 : memref<20480x64xf32, #tpu.memory_space<hbm>>) dst(%arg9 : memref<128x64xf32, #tpu.memory_space<vmem>>)
      %ge3A = arith.constant 1 : i32
      %ge3A_103 = arith.cmpi sge, %add3A_96, %ge3A : i32
      %convert_element_type3A_104 = arith.extui %ge3A_103 : i1 to i32
      %cond3A_105 = arith.constant 0 : i32
      %cond3A_106 = arith.cmpi ne, %convert_element_type3A_104, %cond3A_105 : i32
      scf.if %cond3A_106 {
        %sub3A = arith.constant 1 : i32
        %sub3A_281 = arith.subi %add3A_96, %sub3A : i32
        %dma_wait3A_282 = arith.constant 0 : i32
        %dma_wait3A_283 = tpu.memref_slice %arg8[%sub3A_281, %dma_wait3A_282] : memref<160x128xi32, #tpu.memory_space<vmem>> -> memref<1x128xi32, #tpu.memory_space<vmem>>
        %dma_wait3A_284 = tpu.memref_squeeze %dma_wait3A_283 : memref<1x128xi32, #tpu.memory_space<vmem>> -> memref<128xi32, #tpu.memory_space<vmem>>
        %dma_wait3A_285 = arith.constant 0 : i32
        %dma_wait3A_286 = arith.constant 0 : i32
        %dma_wait3A_287 = tpu.memref_slice %arg16[%dma_wait3A_285, %dma_wait3A_286] : memref<10240x64xf32, #tpu.memory_space<vmem_shared>> -> memref<10240x64xf32, #tpu.memory_space<vmem_shared>>
        tpu.wait_indirect_dma semaphore(%arg27 : memref<!tpu.dma_semaphore, #tpu.memory_space<semaphore_mem>>) src(%arg13 : memref<128x64xf32, #tpu.memory_space<vmem>>) dst(%dma_wait3A_287 : memref<10240x64xf32, #tpu.memory_space<vmem_shared>>)
      } else {
      }
      %add3A_107 = arith.constant 4 : i32
      %add3A_108 = arith.addi %add3A_96, %add3A_107 : i32
      %lt3A = arith.constant 160 : i32
      %lt3A_109 = arith.cmpi slt, %add3A_108, %lt3A : i32
      %convert_element_type3A_110 = arith.extui %lt3A_109 : i1 to i32
      %cond3A_111 = arith.constant 0 : i32
      %cond3A_112 = arith.cmpi ne, %convert_element_type3A_110, %cond3A_111 : i32
      scf.if %cond3A_112 {
        %add3A_281 = arith.constant 4 : i32
        %add3A_282 = arith.addi %add3A_96, %add3A_281 : i32
        %dma_start3A_283 = arith.constant 0 : i32
        %dma_start3A_284 = tpu.memref_slice %arg7[%add3A_282, %dma_start3A_283] : memref<160x128xi32, #tpu.memory_space<vmem>> -> memref<1x128xi32, #tpu.memory_space<vmem>>
        %dma_start3A_285 = tpu.memref_squeeze %dma_start3A_284 : memref<1x128xi32, #tpu.memory_space<vmem>> -> memref<128xi32, #tpu.memory_space<vmem>>
        %dma_start3A_286 = arith.constant 0 : i32
        %dma_start3A_287 = arith.constant 0 : i32
        %dma_start3A_288 = tpu.memref_slice %arg2[%dma_start3A_286, %dma_start3A_287] : memref<20480x64xf32, #tpu.memory_space<hbm>> -> memref<20480x64xf32, #tpu.memory_space<hbm>>
        tpu.enqueue_indirect_dma source(%dma_start3A_288 : memref<20480x64xf32, #tpu.memory_space<hbm>>) target(%arg13 : memref<128x64xf32, #tpu.memory_space<vmem>>) offsets(%dma_start3A_285 : memref<128xi32, #tpu.memory_space<vmem>>) semaphore(%arg22 : memref<!tpu.dma_semaphore, #tpu.memory_space<semaphore_mem>>)
      } else {
      }
      %dma_start3A_113 = arith.constant 0 : i32
      %dma_start3A_114 = tpu.memref_slice %arg8[%add3A_96, %dma_start3A_113] : memref<160x128xi32, #tpu.memory_space<vmem>> -> memref<1x128xi32, #tpu.memory_space<vmem>>
      %dma_start3A_115 = tpu.memref_squeeze %dma_start3A_114 : memref<1x128xi32, #tpu.memory_space<vmem>> -> memref<128xi32, #tpu.memory_space<vmem>>
      %dma_start3A_116 = arith.constant 0 : i32
      %dma_start3A_117 = arith.constant 0 : i32
      %dma_start3A_118 = tpu.memref_slice %arg16[%dma_start3A_116, %dma_start3A_117] : memref<10240x64xf32, #tpu.memory_space<vmem_shared>> -> memref<10240x64xf32, #tpu.memory_space<vmem_shared>>
      tpu.enqueue_indirect_dma source(%arg9 : memref<128x64xf32, #tpu.memory_space<vmem>>) target(%dma_start3A_118 : memref<10240x64xf32, #tpu.memory_space<vmem_shared>>) offsets(%dma_start3A_115 : memref<128xi32, #tpu.memory_space<vmem>>) semaphore(%arg23 : memref<!tpu.dma_semaphore, #tpu.memory_space<semaphore_mem>>) {add = true}
      %gt3A = arith.constant 0 : i32
      %gt3A_119 = arith.cmpi sgt, %add3A_96, %gt3A : i32
      %convert_element_type3A_120 = arith.extui %gt3A_119 : i1 to i32
      %cond3A_121 = arith.constant 0 : i32
      %cond3A_122 = arith.cmpi ne, %convert_element_type3A_120, %cond3A_121 : i32
      scf.if %cond3A_122 {
        %sub3A = arith.constant 1 : i32
        %sub3A_281 = arith.subi %add3A_96, %sub3A : i32
        %eq3A_282 = arith.constant 0 : i32
        %eq3A_283 = arith.cmpi eq, %arg0, %eq3A_282 : i32
        %convert_element_type3A_284 = arith.extui %eq3A_283 : i1 to i32
        %cond3A_285 = arith.constant 0 : i32
        %cond3A_286 = arith.cmpi ne, %convert_element_type3A_284, %cond3A_285 : i32
        scf.if %cond3A_286 {
          %dma_wait3A_287 = arith.constant 0 : i32
          %dma_wait3A_288 = tpu.memref_slice %arg7[%sub3A_281, %dma_wait3A_287] : memref<160x128xi32, #tpu.memory_space<vmem>> -> memref<1x128xi32, #tpu.memory_space<vmem>>
          %dma_wait3A_289 = tpu.memref_squeeze %dma_wait3A_288 : memref<1x128xi32, #tpu.memory_space<vmem>> -> memref<128xi32, #tpu.memory_space<vmem>>
          %dma_wait3A_290 = arith.constant 0 : i32
          %dma_wait3A_291 = tpu.memref_slice %arg17[%dma_wait3A_290] : memref<20480xf32, #tpu.memory_space<vmem_shared>> -> memref<20480xf32, #tpu.memory_space<vmem_shared>>
          tpu.wait_indirect_dma semaphore(%arg28 : memref<!tpu.dma_semaphore, #tpu.memory_space<semaphore_mem>>) src(%arg14 : memref<128xf32, #tpu.memory_space<vmem>>) dst(%dma_wait3A_291 : memref<20480xf32, #tpu.memory_space<vmem_shared>>)
        } else {
        }
      } else {
      }
      %eq3A_123 = arith.constant 0 : i32
      %eq3A_124 = arith.cmpi eq, %arg0, %eq3A_123 : i32
      %convert_element_type3A_125 = arith.extui %eq3A_124 : i1 to i32
      %cond3A_126 = arith.constant 0 : i32
      %cond3A_127 = arith.cmpi ne, %convert_element_type3A_125, %cond3A_126 : i32
      scf.if %cond3A_127 {
        %dma_start3A_281 = arith.constant 0 : i32
        %dma_start3A_282 = tpu.memref_slice %arg7[%add3A_96, %dma_start3A_281] : memref<160x128xi32, #tpu.memory_space<vmem>> -> memref<1x128xi32, #tpu.memory_space<vmem>>
        %dma_start3A_283 = tpu.memref_squeeze %dma_start3A_282 : memref<1x128xi32, #tpu.memory_space<vmem>> -> memref<128xi32, #tpu.memory_space<vmem>>
        %dma_start3A_284 = arith.constant 0 : i32
        %dma_start3A_285 = tpu.memref_slice %arg17[%dma_start3A_284] : memref<20480xf32, #tpu.memory_space<vmem_shared>> -> memref<20480xf32, #tpu.memory_space<vmem_shared>>
        tpu.enqueue_indirect_dma source(%arg14 : memref<128xf32, #tpu.memory_space<vmem>>) target(%dma_start3A_285 : memref<20480xf32, #tpu.memory_space<vmem_shared>>) offsets(%dma_start3A_283 : memref<128xi32, #tpu.memory_space<vmem>>) semaphore(%arg28 : memref<!tpu.dma_semaphore, #tpu.memory_space<semaphore_mem>>) {add = true}
      } else {
      }
      %mul3A_128 = arith.constant 5 : i32
      %mul3A_129 = arith.muli %mul3A_128, %scan3A_91 : i32
      %add3A_130 = arith.constant 1 : i32
      %add3A_131 = arith.addi %mul3A_129, %add3A_130 : i32
      %dma_wait3A_132 = arith.constant 0 : i32
      %dma_wait3A_133 = tpu.memref_slice %arg7[%add3A_131, %dma_wait3A_132] : memref<160x128xi32, #tpu.memory_space<vmem>> -> memref<1x128xi32, #tpu.memory_space<vmem>>
      %dma_wait3A_134 = tpu.memref_squeeze %dma_wait3A_133 : memref<1x128xi32, #tpu.memory_space<vmem>> -> memref<128xi32, #tpu.memory_space<vmem>>
      %dma_wait3A_135 = arith.constant 0 : i32
      %dma_wait3A_136 = arith.constant 0 : i32
      %dma_wait3A_137 = tpu.memref_slice %arg2[%dma_wait3A_135, %dma_wait3A_136] : memref<20480x64xf32, #tpu.memory_space<hbm>> -> memref<20480x64xf32, #tpu.memory_space<hbm>>
      tpu.wait_indirect_dma semaphore(%arg19 : memref<!tpu.dma_semaphore, #tpu.memory_space<semaphore_mem>>) src(%dma_wait3A_137 : memref<20480x64xf32, #tpu.memory_space<hbm>>) dst(%arg10 : memref<128x64xf32, #tpu.memory_space<vmem>>)
      %ge3A_138 = arith.constant 1 : i32
      %ge3A_139 = arith.cmpi sge, %add3A_131, %ge3A_138 : i32
      %convert_element_type3A_140 = arith.extui %ge3A_139 : i1 to i32
      %cond3A_141 = arith.constant 0 : i32
      %cond3A_142 = arith.cmpi ne, %convert_element_type3A_140, %cond3A_141 : i32
      scf.if %cond3A_142 {
        %sub3A = arith.constant 1 : i32
        %sub3A_281 = arith.subi %add3A_131, %sub3A : i32
        %dma_wait3A_282 = arith.constant 0 : i32
        %dma_wait3A_283 = tpu.memref_slice %arg8[%sub3A_281, %dma_wait3A_282] : memref<160x128xi32, #tpu.memory_space<vmem>> -> memref<1x128xi32, #tpu.memory_space<vmem>>
        %dma_wait3A_284 = tpu.memref_squeeze %dma_wait3A_283 : memref<1x128xi32, #tpu.memory_space<vmem>> -> memref<128xi32, #tpu.memory_space<vmem>>
        %dma_wait3A_285 = arith.constant 0 : i32
        %dma_wait3A_286 = arith.constant 0 : i32
        %dma_wait3A_287 = tpu.memref_slice %arg16[%dma_wait3A_285, %dma_wait3A_286] : memref<10240x64xf32, #tpu.memory_space<vmem_shared>> -> memref<10240x64xf32, #tpu.memory_space<vmem_shared>>
        tpu.wait_indirect_dma semaphore(%arg23 : memref<!tpu.dma_semaphore, #tpu.memory_space<semaphore_mem>>) src(%arg9 : memref<128x64xf32, #tpu.memory_space<vmem>>) dst(%dma_wait3A_287 : memref<10240x64xf32, #tpu.memory_space<vmem_shared>>)
      } else {
      }
      %add3A_143 = arith.constant 4 : i32
      %add3A_144 = arith.addi %add3A_131, %add3A_143 : i32
      %lt3A_145 = arith.constant 160 : i32
      %lt3A_146 = arith.cmpi slt, %add3A_144, %lt3A_145 : i32
      %convert_element_type3A_147 = arith.extui %lt3A_146 : i1 to i32
      %cond3A_148 = arith.constant 0 : i32
      %cond3A_149 = arith.cmpi ne, %convert_element_type3A_147, %cond3A_148 : i32
      scf.if %cond3A_149 {
        %add3A_281 = arith.constant 4 : i32
        %add3A_282 = arith.addi %add3A_131, %add3A_281 : i32
        %dma_start3A_283 = arith.constant 0 : i32
        %dma_start3A_284 = tpu.memref_slice %arg7[%add3A_282, %dma_start3A_283] : memref<160x128xi32, #tpu.memory_space<vmem>> -> memref<1x128xi32, #tpu.memory_space<vmem>>
        %dma_start3A_285 = tpu.memref_squeeze %dma_start3A_284 : memref<1x128xi32, #tpu.memory_space<vmem>> -> memref<128xi32, #tpu.memory_space<vmem>>
        %dma_start3A_286 = arith.constant 0 : i32
        %dma_start3A_287 = arith.constant 0 : i32
        %dma_start3A_288 = tpu.memref_slice %arg2[%dma_start3A_286, %dma_start3A_287] : memref<20480x64xf32, #tpu.memory_space<hbm>> -> memref<20480x64xf32, #tpu.memory_space<hbm>>
        tpu.enqueue_indirect_dma source(%dma_start3A_288 : memref<20480x64xf32, #tpu.memory_space<hbm>>) target(%arg9 : memref<128x64xf32, #tpu.memory_space<vmem>>) offsets(%dma_start3A_285 : memref<128xi32, #tpu.memory_space<vmem>>) semaphore(%arg18 : memref<!tpu.dma_semaphore, #tpu.memory_space<semaphore_mem>>)
      } else {
      }
      %dma_start3A_150 = arith.constant 0 : i32
      %dma_start3A_151 = tpu.memref_slice %arg8[%add3A_131, %dma_start3A_150] : memref<160x128xi32, #tpu.memory_space<vmem>> -> memref<1x128xi32, #tpu.memory_space<vmem>>
      %dma_start3A_152 = tpu.memref_squeeze %dma_start3A_151 : memref<1x128xi32, #tpu.memory_space<vmem>> -> memref<128xi32, #tpu.memory_space<vmem>>
      %dma_start3A_153 = arith.constant 0 : i32
      %dma_start3A_154 = arith.constant 0 : i32
      %dma_start3A_155 = tpu.memref_slice %arg16[%dma_start3A_153, %dma_start3A_154] : memref<10240x64xf32, #tpu.memory_space<vmem_shared>> -> memref<10240x64xf32, #tpu.memory_space<vmem_shared>>
      tpu.enqueue_indirect_dma source(%arg10 : memref<128x64xf32, #tpu.memory_space<vmem>>) target(%dma_start3A_155 : memref<10240x64xf32, #tpu.memory_space<vmem_shared>>) offsets(%dma_start3A_152 : memref<128xi32, #tpu.memory_space<vmem>>) semaphore(%arg24 : memref<!tpu.dma_semaphore, #tpu.memory_space<semaphore_mem>>) {add = true}
      %gt3A_156 = arith.constant 0 : i32
      %gt3A_157 = arith.cmpi sgt, %add3A_131, %gt3A_156 : i32
      %convert_element_type3A_158 = arith.extui %gt3A_157 : i1 to i32
      %cond3A_159 = arith.constant 0 : i32
      %cond3A_160 = arith.cmpi ne, %convert_element_type3A_158, %cond3A_159 : i32
      scf.if %cond3A_160 {
        %sub3A = arith.constant 1 : i32
        %sub3A_281 = arith.subi %add3A_131, %sub3A : i32
        %eq3A_282 = arith.constant 0 : i32
        %eq3A_283 = arith.cmpi eq, %arg0, %eq3A_282 : i32
        %convert_element_type3A_284 = arith.extui %eq3A_283 : i1 to i32
        %cond3A_285 = arith.constant 0 : i32
        %cond3A_286 = arith.cmpi ne, %convert_element_type3A_284, %cond3A_285 : i32
        scf.if %cond3A_286 {
          %dma_wait3A_287 = arith.constant 0 : i32
          %dma_wait3A_288 = tpu.memref_slice %arg7[%sub3A_281, %dma_wait3A_287] : memref<160x128xi32, #tpu.memory_space<vmem>> -> memref<1x128xi32, #tpu.memory_space<vmem>>
          %dma_wait3A_289 = tpu.memref_squeeze %dma_wait3A_288 : memref<1x128xi32, #tpu.memory_space<vmem>> -> memref<128xi32, #tpu.memory_space<vmem>>
          %dma_wait3A_290 = arith.constant 0 : i32
          %dma_wait3A_291 = tpu.memref_slice %arg17[%dma_wait3A_290] : memref<20480xf32, #tpu.memory_space<vmem_shared>> -> memref<20480xf32, #tpu.memory_space<vmem_shared>>
          tpu.wait_indirect_dma semaphore(%arg28 : memref<!tpu.dma_semaphore, #tpu.memory_space<semaphore_mem>>) src(%arg14 : memref<128xf32, #tpu.memory_space<vmem>>) dst(%dma_wait3A_291 : memref<20480xf32, #tpu.memory_space<vmem_shared>>)
        } else {
        }
      } else {
      }
      %eq3A_161 = arith.constant 0 : i32
      %eq3A_162 = arith.cmpi eq, %arg0, %eq3A_161 : i32
      %convert_element_type3A_163 = arith.extui %eq3A_162 : i1 to i32
      %cond3A_164 = arith.constant 0 : i32
      %cond3A_165 = arith.cmpi ne, %convert_element_type3A_163, %cond3A_164 : i32
      scf.if %cond3A_165 {
        %dma_start3A_281 = arith.constant 0 : i32
        %dma_start3A_282 = tpu.memref_slice %arg7[%add3A_131, %dma_start3A_281] : memref<160x128xi32, #tpu.memory_space<vmem>> -> memref<1x128xi32, #tpu.memory_space<vmem>>
        %dma_start3A_283 = tpu.memref_squeeze %dma_start3A_282 : memref<1x128xi32, #tpu.memory_space<vmem>> -> memref<128xi32, #tpu.memory_space<vmem>>
        %dma_start3A_284 = arith.constant 0 : i32
        %dma_start3A_285 = tpu.memref_slice %arg17[%dma_start3A_284] : memref<20480xf32, #tpu.memory_space<vmem_shared>> -> memref<20480xf32, #tpu.memory_space<vmem_shared>>
        tpu.enqueue_indirect_dma source(%arg14 : memref<128xf32, #tpu.memory_space<vmem>>) target(%dma_start3A_285 : memref<20480xf32, #tpu.memory_space<vmem_shared>>) offsets(%dma_start3A_283 : memref<128xi32, #tpu.memory_space<vmem>>) semaphore(%arg28 : memref<!tpu.dma_semaphore, #tpu.memory_space<semaphore_mem>>) {add = true}
      } else {
      }
      %mul3A_166 = arith.constant 5 : i32
      %mul3A_167 = arith.muli %mul3A_166, %scan3A_91 : i32
      %add3A_168 = arith.constant 2 : i32
      %add3A_169 = arith.addi %mul3A_167, %add3A_168 : i32
      %dma_wait3A_170 = arith.constant 0 : i32
      %dma_wait3A_171 = tpu.memref_slice %arg7[%add3A_169, %dma_wait3A_170] : memref<160x128xi32, #tpu.memory_space<vmem>> -> memref<1x128xi32, #tpu.memory_space<vmem>>
      %dma_wait3A_172 = tpu.memref_squeeze %dma_wait3A_171 : memref<1x128xi32, #tpu.memory_space<vmem>> -> memref<128xi32, #tpu.memory_space<vmem>>
      %dma_wait3A_173 = arith.constant 0 : i32
      %dma_wait3A_174 = arith.constant 0 : i32
      %dma_wait3A_175 = tpu.memref_slice %arg2[%dma_wait3A_173, %dma_wait3A_174] : memref<20480x64xf32, #tpu.memory_space<hbm>> -> memref<20480x64xf32, #tpu.memory_space<hbm>>
      tpu.wait_indirect_dma semaphore(%arg20 : memref<!tpu.dma_semaphore, #tpu.memory_space<semaphore_mem>>) src(%dma_wait3A_175 : memref<20480x64xf32, #tpu.memory_space<hbm>>) dst(%arg11 : memref<128x64xf32, #tpu.memory_space<vmem>>)
      %ge3A_176 = arith.constant 1 : i32
      %ge3A_177 = arith.cmpi sge, %add3A_169, %ge3A_176 : i32
      %convert_element_type3A_178 = arith.extui %ge3A_177 : i1 to i32
      %cond3A_179 = arith.constant 0 : i32
      %cond3A_180 = arith.cmpi ne, %convert_element_type3A_178, %cond3A_179 : i32
      scf.if %cond3A_180 {
        %sub3A = arith.constant 1 : i32
        %sub3A_281 = arith.subi %add3A_169, %sub3A : i32
        %dma_wait3A_282 = arith.constant 0 : i32
        %dma_wait3A_283 = tpu.memref_slice %arg8[%sub3A_281, %dma_wait3A_282] : memref<160x128xi32, #tpu.memory_space<vmem>> -> memref<1x128xi32, #tpu.memory_space<vmem>>
        %dma_wait3A_284 = tpu.memref_squeeze %dma_wait3A_283 : memref<1x128xi32, #tpu.memory_space<vmem>> -> memref<128xi32, #tpu.memory_space<vmem>>
        %dma_wait3A_285 = arith.constant 0 : i32
        %dma_wait3A_286 = arith.constant 0 : i32
        %dma_wait3A_287 = tpu.memref_slice %arg16[%dma_wait3A_285, %dma_wait3A_286] : memref<10240x64xf32, #tpu.memory_space<vmem_shared>> -> memref<10240x64xf32, #tpu.memory_space<vmem_shared>>
        tpu.wait_indirect_dma semaphore(%arg24 : memref<!tpu.dma_semaphore, #tpu.memory_space<semaphore_mem>>) src(%arg10 : memref<128x64xf32, #tpu.memory_space<vmem>>) dst(%dma_wait3A_287 : memref<10240x64xf32, #tpu.memory_space<vmem_shared>>)
      } else {
      }
      %add3A_181 = arith.constant 4 : i32
      %add3A_182 = arith.addi %add3A_169, %add3A_181 : i32
      %lt3A_183 = arith.constant 160 : i32
      %lt3A_184 = arith.cmpi slt, %add3A_182, %lt3A_183 : i32
      %convert_element_type3A_185 = arith.extui %lt3A_184 : i1 to i32
      %cond3A_186 = arith.constant 0 : i32
      %cond3A_187 = arith.cmpi ne, %convert_element_type3A_185, %cond3A_186 : i32
      scf.if %cond3A_187 {
        %add3A_281 = arith.constant 4 : i32
        %add3A_282 = arith.addi %add3A_169, %add3A_281 : i32
        %dma_start3A_283 = arith.constant 0 : i32
        %dma_start3A_284 = tpu.memref_slice %arg7[%add3A_282, %dma_start3A_283] : memref<160x128xi32, #tpu.memory_space<vmem>> -> memref<1x128xi32, #tpu.memory_space<vmem>>
        %dma_start3A_285 = tpu.memref_squeeze %dma_start3A_284 : memref<1x128xi32, #tpu.memory_space<vmem>> -> memref<128xi32, #tpu.memory_space<vmem>>
        %dma_start3A_286 = arith.constant 0 : i32
        %dma_start3A_287 = arith.constant 0 : i32
        %dma_start3A_288 = tpu.memref_slice %arg2[%dma_start3A_286, %dma_start3A_287] : memref<20480x64xf32, #tpu.memory_space<hbm>> -> memref<20480x64xf32, #tpu.memory_space<hbm>>
        tpu.enqueue_indirect_dma source(%dma_start3A_288 : memref<20480x64xf32, #tpu.memory_space<hbm>>) target(%arg10 : memref<128x64xf32, #tpu.memory_space<vmem>>) offsets(%dma_start3A_285 : memref<128xi32, #tpu.memory_space<vmem>>) semaphore(%arg19 : memref<!tpu.dma_semaphore, #tpu.memory_space<semaphore_mem>>)
      } else {
      }
      %dma_start3A_188 = arith.constant 0 : i32
      %dma_start3A_189 = tpu.memref_slice %arg8[%add3A_169, %dma_start3A_188] : memref<160x128xi32, #tpu.memory_space<vmem>> -> memref<1x128xi32, #tpu.memory_space<vmem>>
      %dma_start3A_190 = tpu.memref_squeeze %dma_start3A_189 : memref<1x128xi32, #tpu.memory_space<vmem>> -> memref<128xi32, #tpu.memory_space<vmem>>
      %dma_start3A_191 = arith.constant 0 : i32
      %dma_start3A_192 = arith.constant 0 : i32
      %dma_start3A_193 = tpu.memref_slice %arg16[%dma_start3A_191, %dma_start3A_192] : memref<10240x64xf32, #tpu.memory_space<vmem_shared>> -> memref<10240x64xf32, #tpu.memory_space<vmem_shared>>
      tpu.enqueue_indirect_dma source(%arg11 : memref<128x64xf32, #tpu.memory_space<vmem>>) target(%dma_start3A_193 : memref<10240x64xf32, #tpu.memory_space<vmem_shared>>) offsets(%dma_start3A_190 : memref<128xi32, #tpu.memory_space<vmem>>) semaphore(%arg25 : memref<!tpu.dma_semaphore, #tpu.memory_space<semaphore_mem>>) {add = true}
      %gt3A_194 = arith.constant 0 : i32
      %gt3A_195 = arith.cmpi sgt, %add3A_169, %gt3A_194 : i32
      %convert_element_type3A_196 = arith.extui %gt3A_195 : i1 to i32
      %cond3A_197 = arith.constant 0 : i32
      %cond3A_198 = arith.cmpi ne, %convert_element_type3A_196, %cond3A_197 : i32
      scf.if %cond3A_198 {
        %sub3A = arith.constant 1 : i32
        %sub3A_281 = arith.subi %add3A_169, %sub3A : i32
        %eq3A_282 = arith.constant 0 : i32
        %eq3A_283 = arith.cmpi eq, %arg0, %eq3A_282 : i32
        %convert_element_type3A_284 = arith.extui %eq3A_283 : i1 to i32
        %cond3A_285 = arith.constant 0 : i32
        %cond3A_286 = arith.cmpi ne, %convert_element_type3A_284, %cond3A_285 : i32
        scf.if %cond3A_286 {
          %dma_wait3A_287 = arith.constant 0 : i32
          %dma_wait3A_288 = tpu.memref_slice %arg7[%sub3A_281, %dma_wait3A_287] : memref<160x128xi32, #tpu.memory_space<vmem>> -> memref<1x128xi32, #tpu.memory_space<vmem>>
          %dma_wait3A_289 = tpu.memref_squeeze %dma_wait3A_288 : memref<1x128xi32, #tpu.memory_space<vmem>> -> memref<128xi32, #tpu.memory_space<vmem>>
          %dma_wait3A_290 = arith.constant 0 : i32
          %dma_wait3A_291 = tpu.memref_slice %arg17[%dma_wait3A_290] : memref<20480xf32, #tpu.memory_space<vmem_shared>> -> memref<20480xf32, #tpu.memory_space<vmem_shared>>
          tpu.wait_indirect_dma semaphore(%arg28 : memref<!tpu.dma_semaphore, #tpu.memory_space<semaphore_mem>>) src(%arg14 : memref<128xf32, #tpu.memory_space<vmem>>) dst(%dma_wait3A_291 : memref<20480xf32, #tpu.memory_space<vmem_shared>>)
        } else {
        }
      } else {
      }
      %eq3A_199 = arith.constant 0 : i32
      %eq3A_200 = arith.cmpi eq, %arg0, %eq3A_199 : i32
      %convert_element_type3A_201 = arith.extui %eq3A_200 : i1 to i32
      %cond3A_202 = arith.constant 0 : i32
      %cond3A_203 = arith.cmpi ne, %convert_element_type3A_201, %cond3A_202 : i32
      scf.if %cond3A_203 {
        %dma_start3A_281 = arith.constant 0 : i32
        %dma_start3A_282 = tpu.memref_slice %arg7[%add3A_169, %dma_start3A_281] : memref<160x128xi32, #tpu.memory_space<vmem>> -> memref<1x128xi32, #tpu.memory_space<vmem>>
        %dma_start3A_283 = tpu.memref_squeeze %dma_start3A_282 : memref<1x128xi32, #tpu.memory_space<vmem>> -> memref<128xi32, #tpu.memory_space<vmem>>
        %dma_start3A_284 = arith.constant 0 : i32
        %dma_start3A_285 = tpu.memref_slice %arg17[%dma_start3A_284] : memref<20480xf32, #tpu.memory_space<vmem_shared>> -> memref<20480xf32, #tpu.memory_space<vmem_shared>>
        tpu.enqueue_indirect_dma source(%arg14 : memref<128xf32, #tpu.memory_space<vmem>>) target(%dma_start3A_285 : memref<20480xf32, #tpu.memory_space<vmem_shared>>) offsets(%dma_start3A_283 : memref<128xi32, #tpu.memory_space<vmem>>) semaphore(%arg28 : memref<!tpu.dma_semaphore, #tpu.memory_space<semaphore_mem>>) {add = true}
      } else {
      }
      %mul3A_204 = arith.constant 5 : i32
      %mul3A_205 = arith.muli %mul3A_204, %scan3A_91 : i32
      %add3A_206 = arith.constant 3 : i32
      %add3A_207 = arith.addi %mul3A_205, %add3A_206 : i32
      %dma_wait3A_208 = arith.constant 0 : i32
      %dma_wait3A_209 = tpu.memref_slice %arg7[%add3A_207, %dma_wait3A_208] : memref<160x128xi32, #tpu.memory_space<vmem>> -> memref<1x128xi32, #tpu.memory_space<vmem>>
      %dma_wait3A_210 = tpu.memref_squeeze %dma_wait3A_209 : memref<1x128xi32, #tpu.memory_space<vmem>> -> memref<128xi32, #tpu.memory_space<vmem>>
      %dma_wait3A_211 = arith.constant 0 : i32
      %dma_wait3A_212 = arith.constant 0 : i32
      %dma_wait3A_213 = tpu.memref_slice %arg2[%dma_wait3A_211, %dma_wait3A_212] : memref<20480x64xf32, #tpu.memory_space<hbm>> -> memref<20480x64xf32, #tpu.memory_space<hbm>>
      tpu.wait_indirect_dma semaphore(%arg21 : memref<!tpu.dma_semaphore, #tpu.memory_space<semaphore_mem>>) src(%dma_wait3A_213 : memref<20480x64xf32, #tpu.memory_space<hbm>>) dst(%arg12 : memref<128x64xf32, #tpu.memory_space<vmem>>)
      %ge3A_214 = arith.constant 1 : i32
      %ge3A_215 = arith.cmpi sge, %add3A_207, %ge3A_214 : i32
      %convert_element_type3A_216 = arith.extui %ge3A_215 : i1 to i32
      %cond3A_217 = arith.constant 0 : i32
      %cond3A_218 = arith.cmpi ne, %convert_element_type3A_216, %cond3A_217 : i32
      scf.if %cond3A_218 {
        %sub3A = arith.constant 1 : i32
        %sub3A_281 = arith.subi %add3A_207, %sub3A : i32
        %dma_wait3A_282 = arith.constant 0 : i32
        %dma_wait3A_283 = tpu.memref_slice %arg8[%sub3A_281, %dma_wait3A_282] : memref<160x128xi32, #tpu.memory_space<vmem>> -> memref<1x128xi32, #tpu.memory_space<vmem>>
        %dma_wait3A_284 = tpu.memref_squeeze %dma_wait3A_283 : memref<1x128xi32, #tpu.memory_space<vmem>> -> memref<128xi32, #tpu.memory_space<vmem>>
        %dma_wait3A_285 = arith.constant 0 : i32
        %dma_wait3A_286 = arith.constant 0 : i32
        %dma_wait3A_287 = tpu.memref_slice %arg16[%dma_wait3A_285, %dma_wait3A_286] : memref<10240x64xf32, #tpu.memory_space<vmem_shared>> -> memref<10240x64xf32, #tpu.memory_space<vmem_shared>>
        tpu.wait_indirect_dma semaphore(%arg25 : memref<!tpu.dma_semaphore, #tpu.memory_space<semaphore_mem>>) src(%arg11 : memref<128x64xf32, #tpu.memory_space<vmem>>) dst(%dma_wait3A_287 : memref<10240x64xf32, #tpu.memory_space<vmem_shared>>)
      } else {
      }
      %add3A_219 = arith.constant 4 : i32
      %add3A_220 = arith.addi %add3A_207, %add3A_219 : i32
      %lt3A_221 = arith.constant 160 : i32
      %lt3A_222 = arith.cmpi slt, %add3A_220, %lt3A_221 : i32
      %convert_element_type3A_223 = arith.extui %lt3A_222 : i1 to i32
      %cond3A_224 = arith.constant 0 : i32
      %cond3A_225 = arith.cmpi ne, %convert_element_type3A_223, %cond3A_224 : i32
      scf.if %cond3A_225 {
        %add3A_281 = arith.constant 4 : i32
        %add3A_282 = arith.addi %add3A_207, %add3A_281 : i32
        %dma_start3A_283 = arith.constant 0 : i32
        %dma_start3A_284 = tpu.memref_slice %arg7[%add3A_282, %dma_start3A_283] : memref<160x128xi32, #tpu.memory_space<vmem>> -> memref<1x128xi32, #tpu.memory_space<vmem>>
        %dma_start3A_285 = tpu.memref_squeeze %dma_start3A_284 : memref<1x128xi32, #tpu.memory_space<vmem>> -> memref<128xi32, #tpu.memory_space<vmem>>
        %dma_start3A_286 = arith.constant 0 : i32
        %dma_start3A_287 = arith.constant 0 : i32
        %dma_start3A_288 = tpu.memref_slice %arg2[%dma_start3A_286, %dma_start3A_287] : memref<20480x64xf32, #tpu.memory_space<hbm>> -> memref<20480x64xf32, #tpu.memory_space<hbm>>
        tpu.enqueue_indirect_dma source(%dma_start3A_288 : memref<20480x64xf32, #tpu.memory_space<hbm>>) target(%arg11 : memref<128x64xf32, #tpu.memory_space<vmem>>) offsets(%dma_start3A_285 : memref<128xi32, #tpu.memory_space<vmem>>) semaphore(%arg20 : memref<!tpu.dma_semaphore, #tpu.memory_space<semaphore_mem>>)
      } else {
      }
      %dma_start3A_226 = arith.constant 0 : i32
      %dma_start3A_227 = tpu.memref_slice %arg8[%add3A_207, %dma_start3A_226] : memref<160x128xi32, #tpu.memory_space<vmem>> -> memref<1x128xi32, #tpu.memory_space<vmem>>
      %dma_start3A_228 = tpu.memref_squeeze %dma_start3A_227 : memref<1x128xi32, #tpu.memory_space<vmem>> -> memref<128xi32, #tpu.memory_space<vmem>>
      %dma_start3A_229 = arith.constant 0 : i32
      %dma_start3A_230 = arith.constant 0 : i32
      %dma_start3A_231 = tpu.memref_slice %arg16[%dma_start3A_229, %dma_start3A_230] : memref<10240x64xf32, #tpu.memory_space<vmem_shared>> -> memref<10240x64xf32, #tpu.memory_space<vmem_shared>>
      tpu.enqueue_indirect_dma source(%arg12 : memref<128x64xf32, #tpu.memory_space<vmem>>) target(%dma_start3A_231 : memref<10240x64xf32, #tpu.memory_space<vmem_shared>>) offsets(%dma_start3A_228 : memref<128xi32, #tpu.memory_space<vmem>>) semaphore(%arg26 : memref<!tpu.dma_semaphore, #tpu.memory_space<semaphore_mem>>) {add = true}
      %gt3A_232 = arith.constant 0 : i32
      %gt3A_233 = arith.cmpi sgt, %add3A_207, %gt3A_232 : i32
      %convert_element_type3A_234 = arith.extui %gt3A_233 : i1 to i32
      %cond3A_235 = arith.constant 0 : i32
      %cond3A_236 = arith.cmpi ne, %convert_element_type3A_234, %cond3A_235 : i32
      scf.if %cond3A_236 {
        %sub3A = arith.constant 1 : i32
        %sub3A_281 = arith.subi %add3A_207, %sub3A : i32
        %eq3A_282 = arith.constant 0 : i32
        %eq3A_283 = arith.cmpi eq, %arg0, %eq3A_282 : i32
        %convert_element_type3A_284 = arith.extui %eq3A_283 : i1 to i32
        %cond3A_285 = arith.constant 0 : i32
        %cond3A_286 = arith.cmpi ne, %convert_element_type3A_284, %cond3A_285 : i32
        scf.if %cond3A_286 {
          %dma_wait3A_287 = arith.constant 0 : i32
          %dma_wait3A_288 = tpu.memref_slice %arg7[%sub3A_281, %dma_wait3A_287] : memref<160x128xi32, #tpu.memory_space<vmem>> -> memref<1x128xi32, #tpu.memory_space<vmem>>
          %dma_wait3A_289 = tpu.memref_squeeze %dma_wait3A_288 : memref<1x128xi32, #tpu.memory_space<vmem>> -> memref<128xi32, #tpu.memory_space<vmem>>
          %dma_wait3A_290 = arith.constant 0 : i32
          %dma_wait3A_291 = tpu.memref_slice %arg17[%dma_wait3A_290] : memref<20480xf32, #tpu.memory_space<vmem_shared>> -> memref<20480xf32, #tpu.memory_space<vmem_shared>>
          tpu.wait_indirect_dma semaphore(%arg28 : memref<!tpu.dma_semaphore, #tpu.memory_space<semaphore_mem>>) src(%arg14 : memref<128xf32, #tpu.memory_space<vmem>>) dst(%dma_wait3A_291 : memref<20480xf32, #tpu.memory_space<vmem_shared>>)
        } else {
        }
      } else {
      }
      %eq3A_237 = arith.constant 0 : i32
      %eq3A_238 = arith.cmpi eq, %arg0, %eq3A_237 : i32
      %convert_element_type3A_239 = arith.extui %eq3A_238 : i1 to i32
      %cond3A_240 = arith.constant 0 : i32
      %cond3A_241 = arith.cmpi ne, %convert_element_type3A_239, %cond3A_240 : i32
      scf.if %cond3A_241 {
        %dma_start3A_281 = arith.constant 0 : i32
        %dma_start3A_282 = tpu.memref_slice %arg7[%add3A_207, %dma_start3A_281] : memref<160x128xi32, #tpu.memory_space<vmem>> -> memref<1x128xi32, #tpu.memory_space<vmem>>
        %dma_start3A_283 = tpu.memref_squeeze %dma_start3A_282 : memref<1x128xi32, #tpu.memory_space<vmem>> -> memref<128xi32, #tpu.memory_space<vmem>>
        %dma_start3A_284 = arith.constant 0 : i32
        %dma_start3A_285 = tpu.memref_slice %arg17[%dma_start3A_284] : memref<20480xf32, #tpu.memory_space<vmem_shared>> -> memref<20480xf32, #tpu.memory_space<vmem_shared>>
        tpu.enqueue_indirect_dma source(%arg14 : memref<128xf32, #tpu.memory_space<vmem>>) target(%dma_start3A_285 : memref<20480xf32, #tpu.memory_space<vmem_shared>>) offsets(%dma_start3A_283 : memref<128xi32, #tpu.memory_space<vmem>>) semaphore(%arg28 : memref<!tpu.dma_semaphore, #tpu.memory_space<semaphore_mem>>) {add = true}
      } else {
      }
      %mul3A_242 = arith.constant 5 : i32
      %mul3A_243 = arith.muli %mul3A_242, %scan3A_91 : i32
      %add3A_244 = arith.constant 4 : i32
      %add3A_245 = arith.addi %mul3A_243, %add3A_244 : i32
      %dma_wait3A_246 = arith.constant 0 : i32
      %dma_wait3A_247 = tpu.memref_slice %arg7[%add3A_245, %dma_wait3A_246] : memref<160x128xi32, #tpu.memory_space<vmem>> -> memref<1x128xi32, #tpu.memory_space<vmem>>
      %dma_wait3A_248 = tpu.memref_squeeze %dma_wait3A_247 : memref<1x128xi32, #tpu.memory_space<vmem>> -> memref<128xi32, #tpu.memory_space<vmem>>
      %dma_wait3A_249 = arith.constant 0 : i32
      %dma_wait3A_250 = arith.constant 0 : i32
      %dma_wait3A_251 = tpu.memref_slice %arg2[%dma_wait3A_249, %dma_wait3A_250] : memref<20480x64xf32, #tpu.memory_space<hbm>> -> memref<20480x64xf32, #tpu.memory_space<hbm>>
      tpu.wait_indirect_dma semaphore(%arg22 : memref<!tpu.dma_semaphore, #tpu.memory_space<semaphore_mem>>) src(%dma_wait3A_251 : memref<20480x64xf32, #tpu.memory_space<hbm>>) dst(%arg13 : memref<128x64xf32, #tpu.memory_space<vmem>>)
      %ge3A_252 = arith.constant 1 : i32
      %ge3A_253 = arith.cmpi sge, %add3A_245, %ge3A_252 : i32
      %convert_element_type3A_254 = arith.extui %ge3A_253 : i1 to i32
      %cond3A_255 = arith.constant 0 : i32
      %cond3A_256 = arith.cmpi ne, %convert_element_type3A_254, %cond3A_255 : i32
      scf.if %cond3A_256 {
        %sub3A = arith.constant 1 : i32
        %sub3A_281 = arith.subi %add3A_245, %sub3A : i32
        %dma_wait3A_282 = arith.constant 0 : i32
        %dma_wait3A_283 = tpu.memref_slice %arg8[%sub3A_281, %dma_wait3A_282] : memref<160x128xi32, #tpu.memory_space<vmem>> -> memref<1x128xi32, #tpu.memory_space<vmem>>
        %dma_wait3A_284 = tpu.memref_squeeze %dma_wait3A_283 : memref<1x128xi32, #tpu.memory_space<vmem>> -> memref<128xi32, #tpu.memory_space<vmem>>
        %dma_wait3A_285 = arith.constant 0 : i32
        %dma_wait3A_286 = arith.constant 0 : i32
        %dma_wait3A_287 = tpu.memref_slice %arg16[%dma_wait3A_285, %dma_wait3A_286] : memref<10240x64xf32, #tpu.memory_space<vmem_shared>> -> memref<10240x64xf32, #tpu.memory_space<vmem_shared>>
        tpu.wait_indirect_dma semaphore(%arg26 : memref<!tpu.dma_semaphore, #tpu.memory_space<semaphore_mem>>) src(%arg12 : memref<128x64xf32, #tpu.memory_space<vmem>>) dst(%dma_wait3A_287 : memref<10240x64xf32, #tpu.memory_space<vmem_shared>>)
      } else {
      }
      %add3A_257 = arith.constant 4 : i32
      %add3A_258 = arith.addi %add3A_245, %add3A_257 : i32
      %lt3A_259 = arith.constant 160 : i32
      %lt3A_260 = arith.cmpi slt, %add3A_258, %lt3A_259 : i32
      %convert_element_type3A_261 = arith.extui %lt3A_260 : i1 to i32
      %cond3A_262 = arith.constant 0 : i32
      %cond3A_263 = arith.cmpi ne, %convert_element_type3A_261, %cond3A_262 : i32
      scf.if %cond3A_263 {
        %add3A_281 = arith.constant 4 : i32
        %add3A_282 = arith.addi %add3A_245, %add3A_281 : i32
        %dma_start3A_283 = arith.constant 0 : i32
        %dma_start3A_284 = tpu.memref_slice %arg7[%add3A_282, %dma_start3A_283] : memref<160x128xi32, #tpu.memory_space<vmem>> -> memref<1x128xi32, #tpu.memory_space<vmem>>
        %dma_start3A_285 = tpu.memref_squeeze %dma_start3A_284 : memref<1x128xi32, #tpu.memory_space<vmem>> -> memref<128xi32, #tpu.memory_space<vmem>>
        %dma_start3A_286 = arith.constant 0 : i32
        %dma_start3A_287 = arith.constant 0 : i32
        %dma_start3A_288 = tpu.memref_slice %arg2[%dma_start3A_286, %dma_start3A_287] : memref<20480x64xf32, #tpu.memory_space<hbm>> -> memref<20480x64xf32, #tpu.memory_space<hbm>>
        tpu.enqueue_indirect_dma source(%dma_start3A_288 : memref<20480x64xf32, #tpu.memory_space<hbm>>) target(%arg12 : memref<128x64xf32, #tpu.memory_space<vmem>>) offsets(%dma_start3A_285 : memref<128xi32, #tpu.memory_space<vmem>>) semaphore(%arg21 : memref<!tpu.dma_semaphore, #tpu.memory_space<semaphore_mem>>)
      } else {
      }
      %dma_start3A_264 = arith.constant 0 : i32
      %dma_start3A_265 = tpu.memref_slice %arg8[%add3A_245, %dma_start3A_264] : memref<160x128xi32, #tpu.memory_space<vmem>> -> memref<1x128xi32, #tpu.memory_space<vmem>>
      %dma_start3A_266 = tpu.memref_squeeze %dma_start3A_265 : memref<1x128xi32, #tpu.memory_space<vmem>> -> memref<128xi32, #tpu.memory_space<vmem>>
      %dma_start3A_267 = arith.constant 0 : i32
      %dma_start3A_268 = arith.constant 0 : i32
      %dma_start3A_269 = tpu.memref_slice %arg16[%dma_start3A_267, %dma_start3A_268] : memref<10240x64xf32, #tpu.memory_space<vmem_shared>> -> memref<10240x64xf32, #tpu.memory_space<vmem_shared>>
      tpu.enqueue_indirect_dma source(%arg13 : memref<128x64xf32, #tpu.memory_space<vmem>>) target(%dma_start3A_269 : memref<10240x64xf32, #tpu.memory_space<vmem_shared>>) offsets(%dma_start3A_266 : memref<128xi32, #tpu.memory_space<vmem>>) semaphore(%arg27 : memref<!tpu.dma_semaphore, #tpu.memory_space<semaphore_mem>>) {add = true}
      %gt3A_270 = arith.constant 0 : i32
      %gt3A_271 = arith.cmpi sgt, %add3A_245, %gt3A_270 : i32
      %convert_element_type3A_272 = arith.extui %gt3A_271 : i1 to i32
      %cond3A_273 = arith.constant 0 : i32
      %cond3A_274 = arith.cmpi ne, %convert_element_type3A_272, %cond3A_273 : i32
      scf.if %cond3A_274 {
        %sub3A = arith.constant 1 : i32
        %sub3A_281 = arith.subi %add3A_245, %sub3A : i32
        %eq3A_282 = arith.constant 0 : i32
        %eq3A_283 = arith.cmpi eq, %arg0, %eq3A_282 : i32
        %convert_element_type3A_284 = arith.extui %eq3A_283 : i1 to i32
        %cond3A_285 = arith.constant 0 : i32
        %cond3A_286 = arith.cmpi ne, %convert_element_type3A_284, %cond3A_285 : i32
        scf.if %cond3A_286 {
          %dma_wait3A_287 = arith.constant 0 : i32
          %dma_wait3A_288 = tpu.memref_slice %arg7[%sub3A_281, %dma_wait3A_287] : memref<160x128xi32, #tpu.memory_space<vmem>> -> memref<1x128xi32, #tpu.memory_space<vmem>>
          %dma_wait3A_289 = tpu.memref_squeeze %dma_wait3A_288 : memref<1x128xi32, #tpu.memory_space<vmem>> -> memref<128xi32, #tpu.memory_space<vmem>>
          %dma_wait3A_290 = arith.constant 0 : i32
          %dma_wait3A_291 = tpu.memref_slice %arg17[%dma_wait3A_290] : memref<20480xf32, #tpu.memory_space<vmem_shared>> -> memref<20480xf32, #tpu.memory_space<vmem_shared>>
          tpu.wait_indirect_dma semaphore(%arg28 : memref<!tpu.dma_semaphore, #tpu.memory_space<semaphore_mem>>) src(%arg14 : memref<128xf32, #tpu.memory_space<vmem>>) dst(%dma_wait3A_291 : memref<20480xf32, #tpu.memory_space<vmem_shared>>)
        } else {
        }
      } else {
      }
      %eq3A_275 = arith.constant 0 : i32
      %eq3A_276 = arith.cmpi eq, %arg0, %eq3A_275 : i32
      %convert_element_type3A_277 = arith.extui %eq3A_276 : i1 to i32
      %cond3A_278 = arith.constant 0 : i32
      %cond3A_279 = arith.cmpi ne, %convert_element_type3A_277, %cond3A_278 : i32
      scf.if %cond3A_279 {
        %dma_start3A_281 = arith.constant 0 : i32
        %dma_start3A_282 = tpu.memref_slice %arg7[%add3A_245, %dma_start3A_281] : memref<160x128xi32, #tpu.memory_space<vmem>> -> memref<1x128xi32, #tpu.memory_space<vmem>>
        %dma_start3A_283 = tpu.memref_squeeze %dma_start3A_282 : memref<1x128xi32, #tpu.memory_space<vmem>> -> memref<128xi32, #tpu.memory_space<vmem>>
        %dma_start3A_284 = arith.constant 0 : i32
        %dma_start3A_285 = tpu.memref_slice %arg17[%dma_start3A_284] : memref<20480xf32, #tpu.memory_space<vmem_shared>> -> memref<20480xf32, #tpu.memory_space<vmem_shared>>
        tpu.enqueue_indirect_dma source(%arg14 : memref<128xf32, #tpu.memory_space<vmem>>) target(%dma_start3A_285 : memref<20480xf32, #tpu.memory_space<vmem_shared>>) offsets(%dma_start3A_283 : memref<128xi32, #tpu.memory_space<vmem>>) semaphore(%arg28 : memref<!tpu.dma_semaphore, #tpu.memory_space<semaphore_mem>>) {add = true}
      } else {
      }
      %scan3A_280 = arith.constant 0 : i32
      scf.yield %scan3A_280 : i32
    }
    %scan3A_69 = arith.constant 32 : i32
    %dma_wait3A = arith.constant 159 : i32
    %dma_wait3A_70 = arith.constant 0 : i32
    %dma_wait3A_71 = tpu.memref_slice %arg8[%dma_wait3A, %dma_wait3A_70] : memref<160x128xi32, #tpu.memory_space<vmem>> -> memref<1x128xi32, #tpu.memory_space<vmem>>
    %dma_wait3A_72 = tpu.memref_squeeze %dma_wait3A_71 : memref<1x128xi32, #tpu.memory_space<vmem>> -> memref<128xi32, #tpu.memory_space<vmem>>
    %dma_wait3A_73 = arith.constant 0 : i32
    %dma_wait3A_74 = arith.constant 0 : i32
    %dma_wait3A_75 = tpu.memref_slice %arg16[%dma_wait3A_73, %dma_wait3A_74] : memref<10240x64xf32, #tpu.memory_space<vmem_shared>> -> memref<10240x64xf32, #tpu.memory_space<vmem_shared>>
    tpu.wait_indirect_dma semaphore(%arg27 : memref<!tpu.dma_semaphore, #tpu.memory_space<semaphore_mem>>) src(%arg13 : memref<128x64xf32, #tpu.memory_space<vmem>>) dst(%dma_wait3A_75 : memref<10240x64xf32, #tpu.memory_space<vmem_shared>>)
    %eq3A = arith.constant 0 : i32
    %eq3A_76 = arith.cmpi eq, %arg0, %eq3A : i32
    %convert_element_type3A = arith.extui %eq3A_76 : i1 to i32
    %cond3A = arith.constant 0 : i32
    %cond3A_77 = arith.cmpi ne, %convert_element_type3A, %cond3A : i32
    scf.if %cond3A_77 {
      %dma_wait3A_91 = arith.constant 159 : i32
      %dma_wait3A_92 = arith.constant 0 : i32
      %dma_wait3A_93 = tpu.memref_slice %arg7[%dma_wait3A_91, %dma_wait3A_92] : memref<160x128xi32, #tpu.memory_space<vmem>> -> memref<1x128xi32, #tpu.memory_space<vmem>>
      %dma_wait3A_94 = tpu.memref_squeeze %dma_wait3A_93 : memref<1x128xi32, #tpu.memory_space<vmem>> -> memref<128xi32, #tpu.memory_space<vmem>>
      %dma_wait3A_95 = arith.constant 0 : i32
      %dma_wait3A_96 = tpu.memref_slice %arg17[%dma_wait3A_95] : memref<20480xf32, #tpu.memory_space<vmem_shared>> -> memref<20480xf32, #tpu.memory_space<vmem_shared>>
      tpu.wait_indirect_dma semaphore(%arg28 : memref<!tpu.dma_semaphore, #tpu.memory_space<semaphore_mem>>) src(%arg14 : memref<128xf32, #tpu.memory_space<vmem>>) dst(%dma_wait3A_96 : memref<20480xf32, #tpu.memory_space<vmem_shared>>)
    } else {
    }
    %barrier3A_78 = arith.constant 0 : index
    tpu.barrier barrier_id(%barrier3A_78)
    %mul3A_79 = arith.constant 10240 : i32
    %mul3A_80 = arith.muli %arg0, %mul3A_79 : i32
    %mul3A_81 = arith.constant 640 : i32
    %mul3A_82 = arith.muli %arg1, %mul3A_81 : i32
    %add3A_83 = arith.addi %mul3A_80, %mul3A_82 : i32
    %mul3A_84 = arith.constant 640 : i32
    %mul3A_85 = arith.muli %arg1, %mul3A_84 : i32
    "tpu.region"() ({
      %run_scoped3A = tpu.sem_alloc : memref<!tpu.dma_semaphore, #tpu.memory_space<semaphore_mem>>
      %dma_start3A_91 = arith.constant 0 : i32
      %dma_start3A_92 = tpu.memref_slice %arg5[%add3A_83, %dma_start3A_91] : memref<20480x64xf32, #tpu.memory_space<hbm>> -> memref<640x64xf32, #tpu.memory_space<hbm>>
      %dma_start3A_93 = arith.constant 0 : i32
      %dma_start3A_94 = tpu.memref_slice %arg16[%mul3A_85, %dma_start3A_93] : memref<10240x64xf32, #tpu.memory_space<vmem_shared>> -> memref<640x64xf32, #tpu.memory_space<vmem_shared>>
      tpu.enqueue_dma source(%dma_start3A_94 : memref<640x64xf32, #tpu.memory_space<vmem_shared>>) target(%dma_start3A_92 : memref<640x64xf32, #tpu.memory_space<hbm>>) target_semaphore(%run_scoped3A : memref<!tpu.dma_semaphore, #tpu.memory_space<semaphore_mem>>)
      %dma_wait3A_95 = arith.constant 0 : i32
      %dma_wait3A_96 = tpu.memref_slice %arg5[%add3A_83, %dma_wait3A_95] : memref<20480x64xf32, #tpu.memory_space<hbm>> -> memref<640x64xf32, #tpu.memory_space<hbm>>
      %dma_wait3A_97 = arith.constant 0 : i32
      %dma_wait3A_98 = tpu.memref_slice %arg16[%mul3A_85, %dma_wait3A_97] : memref<10240x64xf32, #tpu.memory_space<vmem_shared>> -> memref<640x64xf32, #tpu.memory_space<vmem_shared>>
      tpu.wait_dma2 semaphore(%run_scoped3A : memref<!tpu.dma_semaphore, #tpu.memory_space<semaphore_mem>>) src(%dma_wait3A_98 : memref<640x64xf32, #tpu.memory_space<vmem_shared>>) dst(%dma_wait3A_96 : memref<640x64xf32, #tpu.memory_space<hbm>>)
      tpu.yield
    }) : () -> ()
    %eq3A_86 = arith.constant 0 : i32
    %eq3A_87 = arith.cmpi eq, %arg0, %eq3A_86 : i32
    %convert_element_type3A_88 = arith.extui %eq3A_87 : i1 to i32
    %cond3A_89 = arith.constant 0 : i32
    %cond3A_90 = arith.cmpi ne, %convert_element_type3A_88, %cond3A_89 : i32
    scf.if %cond3A_90 {
      %mul3A_91 = arith.constant 2 : i32
      %mul3A_92 = arith.muli %arg1, %mul3A_91 : i32
      %mul3A_93 = arith.constant 640 : i32
      %mul3A_94 = arith.muli %mul3A_92, %mul3A_93 : i32
      %mul3A_95 = arith.constant 2 : i32
      %mul3A_96 = arith.muli %arg1, %mul3A_95 : i32
      %mul3A_97 = arith.constant 640 : i32
      %mul3A_98 = arith.muli %mul3A_96, %mul3A_97 : i32
      "tpu.region"() ({
        %run_scoped3A = tpu.sem_alloc : memref<!tpu.dma_semaphore, #tpu.memory_space<semaphore_mem>>
        %dma_start3A_99 = tpu.memref_slice %arg6[%mul3A_98] : memref<20480xf32, #tpu.memory_space<hbm>> -> memref<1280xf32, #tpu.memory_space<hbm>>
        %dma_start3A_100 = tpu.memref_slice %arg17[%mul3A_94] : memref<20480xf32, #tpu.memory_space<vmem_shared>> -> memref<1280xf32, #tpu.memory_space<vmem_shared>>
        tpu.enqueue_dma source(%dma_start3A_100 : memref<1280xf32, #tpu.memory_space<vmem_shared>>) target(%dma_start3A_99 : memref<1280xf32, #tpu.memory_space<hbm>>) target_semaphore(%run_scoped3A : memref<!tpu.dma_semaphore, #tpu.memory_space<semaphore_mem>>)
        %dma_wait3A_101 = tpu.memref_slice %arg6[%mul3A_98] : memref<20480xf32, #tpu.memory_space<hbm>> -> memref<1280xf32, #tpu.memory_space<hbm>>
        %dma_wait3A_102 = tpu.memref_slice %arg17[%mul3A_94] : memref<20480xf32, #tpu.memory_space<vmem_shared>> -> memref<1280xf32, #tpu.memory_space<vmem_shared>>
        tpu.wait_dma2 semaphore(%run_scoped3A : memref<!tpu.dma_semaphore, #tpu.memory_space<semaphore_mem>>) src(%dma_wait3A_102 : memref<1280xf32, #tpu.memory_space<vmem_shared>>) dst(%dma_wait3A_101 : memref<1280xf32, #tpu.memory_space<hbm>>)
        tpu.yield
      }) : () -> ()
    } else {
    }
    return
  }
}

module attributes {stable_mosaic.version = 14 : i64} {
  func.func @_tc_h1_body(%arg0: memref<10240x128xf32, #tpu.memory_space<vmem>>, %arg1: memref<128x128xf32, #tpu.memory_space<vmem>>, %arg2: memref<1x128xf32, #tpu.memory_space<vmem>>, %arg3: memref<10240x128xf32, #tpu.memory_space<vmem>>) attributes {dimension_semantics = [], scalar_prefetch = 0 : i64, scratch_operands = 0 : i64, tpu.core_type = #tpu.core_type<tc>} {
    %get3A = arith.constant 0 : index
    %get3A_0 = arith.constant 0 : index
    %get3A_1 = vector.load %arg0[%get3A, %get3A_0] : memref<10240x128xf32, #tpu.memory_space<vmem>>, vector<10240x128xf32>
    %get3A_2 = arith.constant 0 : index
    %get3A_3 = arith.constant 0 : index
    %get3A_4 = vector.load %arg1[%get3A_2, %get3A_3] : memref<128x128xf32, #tpu.memory_space<vmem>>, vector<128x128xf32>
    %dot_general3A = arith.constant dense<0.000000e+00> : vector<10240x128xf32>
    %dot_general3A_5 = tpu.matmul %get3A_1, %get3A_4, %dot_general3A {dimension_numbers = #tpu.dot_dimension_numbers<[1], [1], [0], [0], [0, 0, 1, 0], [], []>, transpose_lhs_hint = false} : vector<10240x128xf32>, vector<128x128xf32>, vector<10240x128xf32> -> vector<10240x128xf32>
    %get3A_6 = arith.constant 0 : index
    %get3A_7 = arith.constant 0 : index
    %get3A_8 = vector.load %arg2[%get3A_6, %get3A_7] : memref<1x128xf32, #tpu.memory_space<vmem>>, vector<1x128xf32>
    %add3A = vector.broadcast %get3A_8 : vector<1x128xf32> to vector<10240x128xf32>
    %add3A_9 = arith.addf %dot_general3A_5, %add3A : vector<10240x128xf32>
    %swap3A = arith.constant 0 : index
    %swap3A_10 = arith.constant 0 : index
    %swap3A_11 = vector.load %arg3[%swap3A, %swap3A_10] : memref<10240x128xf32, #tpu.memory_space<vmem>>, vector<10240x128xf32>
    tpu.vector_store %arg3[%swap3A, %swap3A_10], %add3A_9 {strides = array<i32>} : memref<10240x128xf32, #tpu.memory_space<vmem>>, vector<10240x128xf32>,
    return
  }
}

module attributes {stable_mosaic.version = 14 : i64} {
  func.func @_tc_finish_body(%arg0: memref<10240x64xf32, #tpu.memory_space<vmem>>, %arg1: memref<10240x64xf32, #tpu.memory_space<vmem>>, %arg2: memref<10240x2xf32, #tpu.memory_space<vmem>>, %arg3: memref<64x128xf32, #tpu.memory_space<vmem>>, %arg4: memref<1x64xf32, #tpu.memory_space<vmem>>, %arg5: memref<1x1xf32, #tpu.memory_space<vmem>>) attributes {dimension_semantics = [], scalar_prefetch = 0 : i64, scratch_operands = 0 : i64, tpu.core_type = #tpu.core_type<tc>} {
    %get3A = arith.constant 0 : index
    %get3A_0 = arith.constant 0 : index
    %get3A_1 = vector.load %arg0[%get3A, %get3A_0] : memref<10240x64xf32, #tpu.memory_space<vmem>>, vector<10240x64xf32>
    %tanh3A = math.tanh %get3A_1 : vector<10240x64xf32>
    %get3A_2 = arith.constant 0 : index
    %get3A_3 = arith.constant 0 : index
    %get3A_4 = vector.load %arg3[%get3A_2, %get3A_3] : memref<64x128xf32, #tpu.memory_space<vmem>>, vector<64x64xf32>
    %dot_general3A = arith.constant dense<0.000000e+00> : vector<10240x64xf32>
    %dot_general3A_5 = tpu.matmul %tanh3A, %get3A_4, %dot_general3A {dimension_numbers = #tpu.dot_dimension_numbers<[1], [1], [0], [0], [0, 0, 1, 0], [], []>, transpose_lhs_hint = false} : vector<10240x64xf32>, vector<64x64xf32>, vector<10240x64xf32> -> vector<10240x64xf32>
    %get3A_6 = arith.constant 0 : index
    %get3A_7 = arith.constant 0 : index
    %get3A_8 = vector.load %arg1[%get3A_6, %get3A_7] : memref<10240x64xf32, #tpu.memory_space<vmem>>, vector<10240x64xf32>
    %tanh3A_9 = math.tanh %get3A_8 : vector<10240x64xf32>
    %get3A_10 = arith.constant 0 : index
    %get3A_11 = arith.constant 64 : index
    %get3A_12 = vector.load %arg3[%get3A_10, %get3A_11] : memref<64x128xf32, #tpu.memory_space<vmem>>, vector<64x64xf32>
    %dot_general3A_13 = arith.constant dense<0.000000e+00> : vector<10240x64xf32>
    %dot_general3A_14 = tpu.matmul %tanh3A_9, %get3A_12, %dot_general3A_13 {dimension_numbers = #tpu.dot_dimension_numbers<[1], [1], [0], [0], [0, 0, 1, 0], [], []>, transpose_lhs_hint = false} : vector<10240x64xf32>, vector<64x64xf32>, vector<10240x64xf32> -> vector<10240x64xf32>
    %add3A = arith.addf %dot_general3A_5, %dot_general3A_14 : vector<10240x64xf32>
    %get3A_15 = arith.constant 0 : index
    %get3A_16 = arith.constant 0 : index
    %get3A_17 = vector.load %arg4[%get3A_15, %get3A_16] : memref<1x64xf32, #tpu.memory_space<vmem>>, vector<1x64xf32>
    %add3A_18 = vector.broadcast %get3A_17 : vector<1x64xf32> to vector<10240x64xf32>
    %add3A_19 = arith.addf %add3A, %add3A_18 : vector<10240x64xf32>
    %reduce_sum3A = arith.constant dense<0.000000e+00> : vector<10240xf32>
    %reduce_sum3A_20 = vector.multi_reduction <add>, %add3A_19, %reduce_sum3A [1] : vector<10240x64xf32> to vector<10240xf32>
    %broadcast_in_dim3A = vector.shape_cast %reduce_sum3A_20 : vector<10240xf32> to vector<10240x1xf32>
    %iota3A = tpu.iota {dimensions = array<i32: 0>} : vector<10240x1xi32>
    %lt3A = arith.constant 10000 : i32
    %lt3A_21 = vector.broadcast %lt3A : i32 to vector<10240x1xi32>
    %lt3A_22 = arith.cmpi slt, %iota3A, %lt3A_21 : vector<10240x1xi32>
    %get3A_23 = arith.constant 0 : index
    %get3A_24 = arith.constant 0 : index
    %get3A_25 = vector.load %arg2[%get3A_23, %get3A_24] : memref<10240x2xf32, #tpu.memory_space<vmem>>, vector<10240x1xf32>
    %jit3A = arith.constant 0.000000e+00 : f32
    %broadcast_in_dim3A_26 = vector.broadcast %jit3A : f32 to vector<10240x1xf32>
    %select_n3A = arith.select %lt3A_22, %get3A_25, %broadcast_in_dim3A_26 : vector<10240x1xi1>, vector<10240x1xf32>
    %mul3A = arith.mulf %select_n3A, %broadcast_in_dim3A : vector<10240x1xf32>
    %reduce_sum3A_27 = vector.shape_cast %mul3A : vector<10240x1xf32> to vector<1x10240x1xf32>
    %reduce_sum3A_28 = arith.constant dense<0.000000e+00> : vector<1xf32>
    %reduce_sum3A_29 = vector.multi_reduction <add>, %reduce_sum3A_27, %reduce_sum3A_28 [1, 2] : vector<1x10240x1xf32> to vector<1xf32>
    %reduce_sum3A_30 = vector.shape_cast %reduce_sum3A_29 : vector<1xf32> to vector<1x1x1xf32>
    %reduce_sum3A_31 = vector.extract %reduce_sum3A_30[0, 0, 0] : f32 from vector<1x1x1xf32>
    %reshape3A = vector.broadcast %reduce_sum3A_31 : f32 to vector<1x1xf32>
    %swap3A = arith.constant 0 : index
    %swap3A_32 = arith.constant 0 : index
    %swap3A_33 = vector.load %arg5[%swap3A, %swap3A_32] : memref<1x1xf32, #tpu.memory_space<vmem>>, vector<1x1xf32>
    tpu.vector_store %arg5[%swap3A, %swap3A_32], %reshape3A {strides = array<i32>} : memref<1x1xf32, #tpu.memory_space<vmem>>, vector<1x1xf32>,
    return
  }
}

</mosaic_0001>

<sc_bundles>
// kernel: kernel.5.cloned.1.call-start
scs
__scs_entry_jumppad:
0x0: {  	(pc) =	sbr.rel $0x88, $3  }
0x1: {  	(tag) =	ssettag $0x0;
	lr =	simm.s32 $0x1  }
0x2: {  	[smem:$0x3F9B] =	sst lr;
	_ =	strace $0xD0000000  }
0x3: {  	_ = 	snop  }
0x4: {  	_ = 	snop  }
0x5: {  	_ = 	snop  }
0x6: {  	_ = 	snop  }
0x7: {  	_ = 	snop  }
__scs_overlays_trampoline_lowered:
0x8: {  	[smem:$0x3FAA] =	sst s0  }
0x9: {  	[smem:$0x3FAB] =	sst s1  }
0xa: {  	[smem:$0x3FAC] =	sst s2  }
0xb: {  	[smem:$0x3FAD] =	sst s3  }
0xc: {  	[smem:$0x3FAE] =	sst s4  }
0xd: {  	[smem:$0x3FAF] =	sst s5  }
0xe: {  	[smem:$0x3FB0] =	sst s6  }
0xf: {  	[smem:$0x3FB1] =	sst s7  }
0x10: {  	[smem:$0x3FB2] =	sst s8  }
0x11: {  	[smem:$0x3FB3] =	sst s9;
	s0 =	simm.s32 @!p0 $0x0  }
0x12: {  	s1 =	sld [smem:$0x3F99];
	s0 =	simm.s32 @p0 $0x1  }
0x13: {  	[smem:$0x3FB4] =	sst s0;
	s0 =	simm.s32 @!p1 $0x0  }
0x14: {  	s2 =	sld [smem:$0x3F98];
	s0 =	simm.s32 @p1 $0x1  }
0x15: {  	[smem:$0x3FB5] =	sst s0;
	s0 =	simm.s32 @!p2 $0x0  }
0x16: {  	s3 =	sld [smem:$0x3FDB];
	s0 =	simm.s32 @p2 $0x1  }
0x17: {  	s4 =	simm.s32 $0x1BF5;
	[smem:$0x3FB7] =	sst s0  }
0x18: {  	s0 =	sld [smem:$0x3F9A];
	_ =	swait.ge [sflag:s4], $0x0  }
0x19: {  	s7 =	sld [smem:$0x3F9B]  }
0x1a: {  	s8 =	sadd.s32 $0xFFFFE003, lr  }
0x1b: {  	s9 =	sadd.s32 $0xFFFFFEF7, lr;
	s5 =	simm.s32 $0xFFFFFFFF;
	p2 =	slt.u32 s8, $0xFFFFF086  }
0x1c: {  	p1 =	slt.u32 s9, $0xF7A;
	s5 =	simm.s32 @!p2 $0x0  }
0x1d: {  	s5 =	simm.s32 @p1 $0x1;
	p0 =	seq.s32 s7, s2  }
0x1e: {  	s7 =	smul.u32 @!p0 $0xF7A, s2;
	p2 =	seq.s32 @!p0 s5, $0x0  }
0x1f: {  	s9 =	smul.u32 $0xF7A, s1;
	s8 =	simm.s32 @!p0 $0x1BF5;
	p2 =	por !p2, p0  }
0x20: {  	[sflag:s8] =	ssyncset.s32 @!p0 $0xFFFFF086;
	s6 =	sadd.s32 @!p0 s3, s7;
	s7 =	simm.s32 @!p0 $0x108  }
0x21: {  	s3 =	sadd.s32 s3, s9;
	s6 =	sadd.s32 @!p0 $0x88, s6;
	s7 =	simm.s32 @p2 $0x1082  }
0x22: {  	[simem:s7], [sflag:s8] =	dma.local @!p0 [hbm:s6], $0xF7A  }
0x23: {  	s9 =	sor.u32 $0xD0000000, s2;
	s6 =	simm.s32 $0x108;
	_ =	swait.ge @!p0 [sflag:s8], $0x0  }
0x24: {  	s3 =	sadd.s32 $0x88, s3;
	s6 =	simm.s32 @!p1 $0x1082;
	[sflag:s4] =	ssyncset.s32 $0xFFFFF086  }
0x25: {  	[simem:s6], [sflag:s4] =	dma.local [hbm:s3], $0xF7A  }
0x26: {  	[smem:$0x3F9B] =	sst s1;
	(tag) =	ssettag s2;
	_ =	strace s9  }
0x27: {  	s1 =	sld [smem:$0x3FAB]  }
0x28: {  	s2 =	sld [smem:$0x3FAC]  }
0x29: {  	s4 =	sld [smem:$0x3FAE]  }
0x2a: {  	p0 =	seq.s32 s5, $0x0;
	s5 =	sld [smem:$0x3FAF]  }
0x2b: {  	s6 =	sld [smem:$0x3FB0]  }
0x2c: {  	s7 =	sld [smem:$0x3FB1]  }
0x2d: {  	s3 =	simm.s32 $0x108;
	s8 =	sld [smem:$0x3FB2]  }
0x2e: {  	s3 =	simm.s32 @!p0 $0x1082;
	s9 =	sld [smem:$0x3FB3]  }
0x2f: {  	lr =	sadd.s32 s0, s3;
	s0 =	sld [smem:$0x3FAA]  }
0x30: {  	s3 =	sld [smem:$0x3FAD]  }
0x31: {  	[smem:$0x3FB6] =	sst s10  }
0x32: {  	s10 =	sld [smem:$0x3FB4];
	_ =	sdelay $0x3  }
0x33: {  	p0 =	seq.s32 s10, $0x1;
	s10 =	sld [smem:$0x3FB6];
	_ =	sdelay $0x3  }
0x34: {  	[smem:$0x3FB6] =	sst s10  }
0x35: {  	s10 =	sld [smem:$0x3FB5];
	_ =	sdelay $0x3  }
0x36: {  	p1 =	seq.s32 s10, $0x1;
	s10 =	sld [smem:$0x3FB6];
	_ =	sdelay $0x3  }
0x37: {  	[smem:$0x3FB6] =	sst s10  }
0x38: {  	s10 =	sld [smem:$0x3FB7]  }
0x39: {  	_ = 	snop;
	(pc) =	sbr.ind lr, $3  }
0x3a: {  	_ = 	snop  }
0x3b: {  	_ = 	snop  }
0x3c: {  	p2 =	seq.s32 s10, $0x1;
	s10 =	sld [smem:$0x3FB6]  }
0x3d: {  	_ =	shalt  }
0x3e: {  	_ =	shalt  }
0x3f: {  	_ =	shalt  }
0x40: {  	_ =	shalt  }
0x41: {  	_ =	shalt  }
0x42: {  	_ =	shalt  }
0x43: {  	_ =	shalt  }
0x44: {  	_ =	shalt  }
0x45: {  	_ =	shalt  }
0x46: {  	_ =	shalt  }
0x47: {  	_ =	shalt  }
0x48: {  	_ =	shalt  }
0x49: {  	_ =	shalt  }
0x4a: {  	_ =	shalt  }
0x4b: {  	_ =	shalt  }
0x4c: {  	_ =	shalt  }
0x4d: {  	_ =	shalt  }
0x4e: {  	_ =	shalt  }
0x4f: {  	_ =	shalt  }
0x50: {  	_ =	shalt  }
0x51: {  	_ =	shalt  }
0x52: {  	_ =	shalt  }
0x53: {  	_ =	shalt  }
0x54: {  	_ =	shalt  }
0x55: {  	_ =	shalt  }
0x56: {  	_ =	shalt  }
0x57: {  	_ =	shalt  }
0x58: {  	_ =	shalt  }
0x59: {  	_ =	shalt  }
0x5a: {  	_ =	shalt  }
0x5b: {  	_ =	shalt  }
0x5c: {  	_ =	shalt  }
0x5d: {  	_ =	shalt  }
0x5e: {  	_ =	shalt  }
0x5f: {  	_ =	shalt  }
0x60: {  	_ =	shalt  }
0x61: {  	_ =	shalt  }
0x62: {  	_ =	shalt  }
0x63: {  	_ =	shalt  }
0x64: {  	_ =	shalt  }
0x65: {  	_ =	shalt  }
0x66: {  	_ =	shalt  }
0x67: {  	_ =	shalt  }
0x68: {  	_ =	shalt  }
0x69: {  	_ =	shalt  }
0x6a: {  	_ =	shalt  }
0x6b: {  	_ =	shalt  }
0x6c: {  	_ =	shalt  }
0x6d: {  	_ =	shalt  }
0x6e: {  	_ =	shalt  }
0x6f: {  	_ =	shalt  }
0x70: {  	_ =	shalt  }
0x71: {  	_ =	shalt  }
0x72: {  	_ =	shalt  }
0x73: {  	_ =	shalt  }
0x74: {  	_ =	shalt  }
0x75: {  	_ =	shalt  }
0x76: {  	_ =	shalt  }
0x77: {  	_ =	shalt  }
0x78: {  	_ =	shalt  }
0x79: {  	_ =	shalt  }
0x7a: {  	_ =	shalt  }
0x7b: {  	_ =	shalt  }
0x7c: {  	_ =	shalt  }
0x7d: {  	_ =	shalt  }
0x7e: {  	_ =	shalt  }
0x7f: {  	_ =	shalt  }
0x80: {  	_ =	shalt  }
0x81: {  	_ =	shalt  }
0x82: {  	_ =	shalt  }
0x83: {  	_ =	shalt  }
0x84: {  	_ =	shalt  }
0x85: {  	_ =	shalt  }
0x86: {  	_ =	shalt  }
0x87: {  	_ =	shalt  }
.Lfunc_end0:
.L_simem_size_0:
called_computation_lowered:
.L_overlay_start_0:
0x88: {  	s2 =	sld [smem:$0x3FD9]  }
0x89: {  	s3 =	sld [smem:$0x3FFE];
	_ =	sdelay $0x1  }
0x8a: {  	s1 =	srdreg.scid  }
0x8b: {  	s0 =	sand.u32 $0x1, s1  }
0x8c: {  	s16 =	sshll.u32 s0, $0xA;
	s2 =	sadd.s32 s3, s2  }
0x8d: {  	s2 =	sadd.s32 s2, s16  }
0x8e: {  	[smem:$0x3FC2] =	sst s2  }
0x8f: {  	_ = 	snop  }
0x90: {  	(tm) =	ssettm $0x1  }
0x91: {  	s17 =	sld [smem:$0x3FFB];
	_ =	sdelay $0x3  }
0x92: {  	_ =	strace s17  }
0x93: {  	s2 =	sld [smem:$0x3FFC];
	_ =	sdelay $0x3  }
0x94: {  	_ =	strace s2  }
0x95: {  	s2 =	sld [smem:$0x3FFD];
	_ =	sdelay $0x3  }
0x96: {  	_ =	strace s2  }
0x97: {  	_ =	strace $0x8FFFFFFF  }
0x98: {  	s18 =	sld [smem:$0x3FDB];
	_ =	sdelay $0x1  }
0x99: {  	s19 =	simm.s32 $_scs_section_size  }
0x9a: {  	s4 =	simm.s32 $_size__tile_overlayer_lowered;
	s5 =	simm.s32 $_tile_overlayer_lowered  }
0x9b: {  	s22 =	simm.s32 $0x1BFF;
	s21 =	sshll.u32 s5, $0x1;
	s2 =	sadd.s32 s19, s18  }
0x9c: {  	s6 =	simm.s32 $0x0;
	s20 =	sshll.u32 s4, $0x1;
	s4 =	sadd.s32 s21, s2  }
0x9d: {  	[timem:s6], [sflag:s22] =	dma.local [hbm:s4], s20  }
0x9e: {  	_ =	swait.ge [sflag:s22], s20  }
0x9f: {  	s3 =	ssub.s32 $0x0, s20;
	[sflag:s22] =	ssyncset.done $0x0  }
0xa0: {  	[sflag:s22] =	ssyncadd.s32 s3;
	_ =	sdelay $0x1  }
0xa1: {  	s23 =	simm.s32 $0x1B8B  }
0xa2: {  	_ =	swait.ge [sflag:s23], $0x1  }
0xa3: {  	[sflag:s23] =	ssyncset.done $0x0  }
0xa4: {  	s25 =	simm.s32 $0x1B8E;
	s24 =	sld [smem:$0x3FFE];
	[sflag:s23] =	ssyncadd.s32 $0xFFFFFFFF  }
0xa5: {  	s26 =	simm.s32 $execute0_lowered;
	[smem:$0x3FD2] =	sst s25  }
0xa6: {  	s4 =	sshll.u32 s26, $0x1;
	_ =	strace $0x80000046;
	[dreg:$0x1] =	wrdreg $0xFFFFFFFF  }
0xa7: {  	s28 =	simm.s32 $_size_execute0_lowered;
	s2 =	sadd.s32 s2, s4;
	[dreg:$0x0] =	wrdreg $0x0  }
0xa8: {  	s4 =	sshll.u32 s28, $0x1;
	[dreg:$0x2] =	wrdreg s2  }
0xa9: {  	[dreg:$0x3] =	wrdreg s4  }
0xaa: {  	[dreg:$0x4] =	wrdreg $0xC0  }
0xab: {  	_ =	task [dreg:s6], $0x5FFFF  }
0xac: {  	[dreg:$0x1] =	wrdreg $0xFFFFFFFF  }
0xad: {  	[dreg:$0x0] =	wrdreg $0x60  }
0xae: {  	[dreg:$0x2] =	wrdreg s24  }
0xaf: {  	[dreg:$0x3] =	wrdreg $0x145800  }
0xb0: {  	[dreg:$0x4] =	wrdreg $0x1E5800  }
0xb1: {  	[dreg:$0x5] =	wrdreg $0x9  }
0xb2: {  	_ =	task.clear_ibuf [dreg:s6], $0x6FFFF;
	_ =	strace $0x90000046  }
0xb3: {  	s29 =	simm.s32 $0x9;
	_ =	strace $0x80000048  }
0xb4: {  	_ =	swait.ge [sflag:s29], $0x1  }
0xb5: {  	[sflag:s29] =	ssyncadd.s32 $0xFFFFFFFF  }
0xb6: {  	_ =	strace $0x90000048  }
0xb7: {  	_ =	sfence  }
0xb8: {  	s30 =	sld [smem:$0x0];
	_ =	sdelay $0x2  }
0xb9: {  	s31 =	sshll.u32 s1, $0xD;
	s1 =	sshrl.u32 s1, $0x2  }
0xba: {  	s3 =	sand.u32 $0x4000, s31;
	s1 =	sadd.s32 s1, s30  }
0xbb: {  	s0 =	sor.u32 s3, s0;
	s1 =	sshll.u32 s1, $0x11  }
0xbc: {  	s0 =	sor.u32 s1, s0  }
0xbd: {  	s0 =	sadd.s32 $0x8F2B, s0  }
0xbe: {  	[sflag:s0] =	ssyncadd.remote.s32 $0x1  }
0xbf: {  	_ =	sfence.sel $0xFFFF  }
0xc0: {  	[dreg:$0x0] =	wrdreg $0xFFFFFFFF;
	(pc) =	sbr.abs _section_cstart, $3  }
0xc1: {  	[dreg:$0x1] =	wrdreg $0xFFFFFFFF  }
0xc2: {  	_ =	task.clear_ibuf [dreg:s6], $0x2FFFF;
	_ =	strace $0x9FFFFFFF  }
0xc3: {  	(tm) =	ssettm $0x7FFFFFFF  }
tec
execute0_lowered:
.L_overlay_start_1:
0x0: {  	(tag) =	ssettag $0x1  }
0x1: {  	s0 =	rddreg [dreg:$0x0]  }
0x2: {  	s1 =	rddreg [dreg:$0x1]  }
0x3: {  	s2 =	rddreg [dreg:$0x2];
	s11 =	stileid.u32  }
0x4: {  	s3 =	srdreg.scid;
	s5 =	simm.s32 $0x0;
	s6 =	smul.u32 $0xA00, s11  }
0x5: {  	s28 =	simm.s32 $0x1;
	s29 =	simm.s32 $0x12000;
	s8 =	smul.u32 $0x1400, s11  }
0x6: {  	s30 =	simm.s32 $0xB;
	s31 =	simm.s32 $0x14000;
	s10 =	smul.u32 $0x500, s11  }
0x7: {  	s3 =	sand.u32 $0x1, s3;
	[smem:$0x7FF] =	sst s5;
	s15 =	smul.u32 $0x28000, s11  }
0x8: {  	s5 =	sadd.s32 $0x1F800, s0;
	s4 =	smul.u32 $0xA000, s3;
	_ =	strace $0x80000047  }
0x9: {  	s7 =	smul.u32 $0x14000, s3;
	s14 =	ssub.s32 $0x2, s3;
	p0 =	sne.s32 s3, $0x0  }
0xa: {  	s3 =	simm.s32 $0x5;
	s9 =	sadd.s32 s6, s0;
	s17 =	sshrl.u32 s10, $0x3  }
0xb: {  	s12 =	sshrl.u32 s14, $0x1;
	s18 =	sshrl.u32 s15, $0x2;
	s19 =	sadd.s32 s10, s2  }
0xc: {  	s4 =	sadd.s32 s6, s4;
	s13 =	sadd.s32 s8, s7;
	s12 =	ssub.s32 s14, s12  }
0xd: {  	s6 =	sadd.s32 s18, s1;
	[dreg:$0x5] =	wrdreg s19;
	s20 =	sadd.s32 $0x15800, s9  }
0xe: {  	s18 =	simm.s32 $0xC;
	s19 =	simm.s32 $0x6;
	s8 =	simm.s32 $0x9  }
0xf: {  	s9 =	simm.s32 $0x0;
	s4 =	sadd.s32 s4, s0;
	[dreg:$0x7] =	wrdreg s20  }
0x10: {  	s16 =	sadd.s32 s13, s0;
	s22 =	smax.u32 s12, $0x1;
	[dreg:$0x4] =	wrdreg s6  }
0x11: {  	s0 =	sadd.s32 s17, s0;
	s23 =	sadd.s32 $0x2000, s6;
	[dreg:$0xa] =	wrdreg s22  }
0x12: {  	s24 =	sadd.s32 $0x4000, s6;
	s25 =	sadd.s32 $0x6000, s6;
	[dreg:$0xb] =	wrdreg s23  }
0x13: {  	s26 =	sadd.s32 $0x8000, s6;
	s17 =	simm.s32 $0xA000;
	[dreg:$0xc] =	wrdreg s24  }
0x14: {  	s20 =	simm.s32 $0x3;
	s4 =	sadd.s32 $0x1800, s4;
	[dreg:$0xd] =	wrdreg s25  }
.Ltmp0:
0x15: {  	s21 =	sadd.s32 $0x47800, s16;
	[dreg:$0xe] =	wrdreg s26;
	(pc) =	sbr.rel .LBB2_1-.Ltmp0, $4  }
0x16: {  	s0 =	sadd.s32 $0x6F800, s0;
	s22 =	simm.s32 $0xC000;
	[dreg:$0x6] =	wrdreg s4  }
0x17: {  	s24 =	simm.s32 $0xE000;
	s26 =	simm.s32 $0x10000;
	[dreg:$0x8] =	wrdreg s21  }
0x18: {  	s23 =	simm.s32 $0x7;
	s25 =	simm.s32 $0x4;
	[dreg:$0x9] =	wrdreg s0  }
0x19: {  	v0 =	vimm.f32 $0.0e+00;
	v1 =	vimm.f32 $1.000000000e+00;
	s21 =	simm.s32 $0x80;
	s0 =	simm.s32 $0x2;
	s4 =	simm.s32 $0x8  }
.LBB2_11:
0x1a: {  	s6 =	simm.s32 $0xA  }
0x1b: {  	_ =	swait.ge [sflag:s6], $0x2000  }
0x1c: {  	[sflag:s6] =	ssyncset.done $0x0  }
0x1d: {  	[sflag:s6] =	ssyncadd.s32 $0xFFFFE000  }
0x1e: {  	s9 =	stileid.u32;
	[bflag:$0x0] =	sbarrier.arrive @p0 $0xFFFF  }
0x1f: {  	s6 =	sshll.u32 @p0 s9, $0x6;
	s11 =	rddreg [dreg:$0x4]  }
0x20: {  	s6 =	sor.u32 @p0 $0x1C0C, s6;
	s12 =	rddreg [dreg:$0x8];
	s7 =	sshrl.u32 @p0 s11, $0x3  }
0x21: {  	[hbm:s12], [sflag:s6] =	dma.local @p0 [spmem:s7], $0x1400  }
0x22: {  	s6 =	simm.s32 @p0 $0xC  }
0x23: {  	_ =	swait.ge @p0 [sflag:s6], $0x1400  }
0x24: {  	[sflag:s6] =	ssyncset.done @p0 $0x0  }
0x25: {  	[sflag:s6] =	ssyncadd.s32 @p0 $0xFFFFEC00  }
0x26: {  	_ =	swait.ge @!p0 [sflag:s14], $0x80  }
0x27: {  	[sflag:s14] =	ssyncset.done @!p0 $0x0  }
0x28: {  	s6 =	sshll.u32 @!p0 s9, $0x6;
	[sflag:s14] =	ssyncadd.s32 @!p0 $0xFFFFFF80  }
0x29: {  	s7 =	sshrl.u32 @!p0 s11, $0x3;
	s6 =	sor.u32 @!p0 $0x1C0C, s6;
	[bflag:$0x0] =	sbarrier.arrive @!p0 $0xFFFF  }
0x2a: {  	[hbm:s12], [sflag:s6] =	dma.local @!p0 [spmem:s7], $0x1400  }
0x2b: {  	s7 =	simm.s32 @!p0 $0xC  }
0x2c: {  	_ =	swait.ge @!p0 [sflag:s7], $0x1400  }
0x2d: {  	[sflag:s7] =	ssyncset.done @!p0 $0x0;
	s9 =	rddreg [dreg:$0x5]  }
0x2e: {  	s11 =	rddreg [dreg:$0x9];
	[sflag:s7] =	ssyncadd.s32 @!p0 $0xFFFFEC00;
	s9 =	sshrl.u32 @!p0 s9, $0x3  }
0x2f: {  	[hbm:s11], [sflag:s6] =	dma.local @!p0 [spmem:s9], $0xA0  }
0x30: {  	_ =	swait.ge @!p0 [sflag:s7], $0xA0  }
0x31: {  	s15 =	rddreg [dreg:$0xf]  }
0x32: {  	s16 =	rddreg [dreg:$0xa];
	s9 =	sadd.s32 $0x1, s15  }
0x33: {  	p1 =	sne.s32 s9, s16  }
.Ltmp1:
0x34: {  	_ = 	snop;
	(pc) =	sbr.rel @!p1 .LBB2_12-.Ltmp1, $3  }
0x35: {  	_ =	sdelay $0x1  }
0x36: {  	[sflag:s7] =	ssyncset.done @!p0 $0x0  }
0x37: {  	s10 =	stileid.u32;
	[sflag:s7] =	ssyncadd.s32 @!p0 $0xFFFFFF60  }
.LBB2_1:
0x38: {  	s6 =	simm.s32 $0x0  }
0x39: {  	s12 =	sand.u32 $0x7F00, s6  }
0x3a: {  	s13 =	sand.u32 $0x30, s6;
	s14 =	sshrl.u32 s12, $0x2  }
0x3b: {  	s12 =	simm.s32 $0x40;
	s14 =	sor.u32 s13, s14;
	s13 =	simm.s32 $0x0  }
.LBB2_2:
0x3c: {  	p1 =	sne.s32 s12, $0x7FC0  }
0x3d: {  	[tilespmem:s14+$0xA000] =	vst v0;
	s13 =	sadd.s32 $0x10, s13;
	s14 =	smov.u32 s12;
	s12 =	sadd.s32 $0x40, s12  }
.Ltmp2:
0x3e: {  	(pc) =	sbr.rel @p1 .LBB2_2-.Ltmp2, $4  }
0x3f: {  	_ = 	snop  }
0x40: {  	s14 =	sand.u32 $0x7F00, s14  }
0x41: {  	s15 =	sand.u32 $0x30, s13;
	s14 =	sshrl.u32 s14, $0x2  }
0x42: {  	s14 =	sor.u32 s15, s14  }
0x43: {  	[tilespmem:s14+$0xA000] =	vst v0  }
0x44: {  	[tilespmem:$0x14000] =	vst v1  }
0x45: {  	[tilespmem:$0x14010] =	vst v1  }
0x46: {  	[tilespmem:$0x14020] =	vst v1  }
0x47: {  	[tilespmem:$0x14030] =	vst v1  }
0x48: {  	[tilespmem:$0x14040] =	vst v1  }
0x49: {  	[tilespmem:$0x14050] =	vst v1  }
0x4a: {  	[tilespmem:$0x14060] =	vst v1  }
0x4b: {  	s12 =	simm.s32 $0x40;
	s13 =	simm.s32 $0x0;
	[tilespmem:$0x14070] =	vst v1  }
.LBB2_4:
0x4c: {  	p1 =	sne.s32 s12, $0x13C0;
	[tilespmem:s13+$0x14080] =	vst v0;
	s13 =	smov.u32 s12;
	s12 =	sadd.s32 $0x40, s12  }
.Ltmp3:
0x4d: {  	(pc) =	sbr.rel @p1 .LBB2_4-.Ltmp3, $2  }
0x4e: {  	_ =	sdelay $0x2  }
0x4f: {  	s13 =	sshra.s32 s13, $0x2  }
0x50: {  	[dreg:$0xf] =	wrdreg s9  }
0x51: {  	[tilespmem:s13+$0x14080] =	vst v0;
	s6 =	rddreg [dreg:$0x4]  }
0x52: {  	[spmem:s6] =	stream.linear.scatter [tilespmem:s17], [sflag:$0xC], $0x2000, $0x38;
	[tilespmem:$0x1EA80] =	vst v63  }
0x53: {  	_ =	swait.ge [sflag:s18], $0x2000  }
0x54: {  	[sflag:s18] =	ssyncset.done $0x0  }
0x55: {  	s15 =	rddreg [dreg:$0xb];
	[sflag:s18] =	ssyncadd.s32 $0xFFFFE000  }
0x56: {  	[spmem:s15] =	stream.linear.scatter [tilespmem:s17], [sflag:$0xC], $0x2000, $0x38;
	[tilespmem:$0x1EA80] =	vst v63  }
0x57: {  	_ =	swait.ge [sflag:s18], $0x2000  }
0x58: {  	[sflag:s18] =	ssyncset.done $0x0  }
0x59: {  	s16 =	rddreg [dreg:$0xc];
	[sflag:s18] =	ssyncadd.s32 $0xFFFFE000  }
0x5a: {  	[spmem:s16] =	stream.linear.scatter [tilespmem:s17], [sflag:$0xC], $0x2000, $0x38;
	[tilespmem:$0x1EA80] =	vst v63  }
0x5b: {  	_ =	swait.ge [sflag:s18], $0x2000  }
0x5c: {  	[sflag:s18] =	ssyncset.done $0x0  }
0x5d: {  	s7 =	rddreg [dreg:$0xd];
	[sflag:s18] =	ssyncadd.s32 $0xFFFFE000  }
0x5e: {  	[spmem:s7] =	stream.linear.scatter [tilespmem:s17], [sflag:$0xC], $0x2000, $0x38;
	[tilespmem:$0x1EA80] =	vst v63  }
0x5f: {  	_ =	swait.ge [sflag:s18], $0x2000  }
0x60: {  	[sflag:s18] =	ssyncset.done $0x0  }
0x61: {  	s9 =	rddreg [dreg:$0xe];
	[sflag:s18] =	ssyncadd.s32 $0xFFFFE000  }
0x62: {  	[spmem:s9] =	stream.linear.scatter [tilespmem:s17], [sflag:$0xC], $0x2000, $0x38;
	[tilespmem:$0x1EA80] =	vst v63  }
0x63: {  	_ =	swait.ge [sflag:s18], $0x2000  }
0x64: {  	[sflag:s18] =	ssyncset.done $0x0  }
0x65: {  	s7 =	simm.s32 $0x14080;
	s10 =	rddreg [dreg:$0x5];
	[sflag:s18] =	ssyncadd.s32 $0xFFFFE000  }
0x66: {  	[spmem:s10] =	stream.linear.scatter [tilespmem:s7], [sflag:$0xC], $0x500, $0x38;
	[tilespmem:$0x1EA80] =	vst v63  }
0x67: {  	_ =	swait.ge [sflag:s18], $0x500  }
0x68: {  	[sflag:s18] =	ssyncset.done $0x0  }
0x69: {  	[sflag:s18] =	ssyncadd.s32 $0xFFFFFB00  }
0x6a: {  	[bflag:$0x0] =	sbarrier.arrive $0xFFFF  }
0x6b: {  	s12 =	simm.s32 $0x0;
	s11 =	rddreg [dreg:$0x6]  }
0x6c: {  	[tilespmem:s12], [sflag:$0xC] =	stream.linear.gather [hbm4b:s11+s12], $0x5000, $0x38;
	[tilespmem:$0x1EA80] =	vst v63  }
0x6d: {  	_ =	swait.ge [sflag:s18], $0x5000  }
0x6e: {  	[sflag:s18] =	ssyncset.done $0x0  }
0x6f: {  	s14 =	simm.s32 $0x5000;
	s13 =	rddreg [dreg:$0x7];
	[sflag:s18] =	ssyncadd.s32 $0xFFFFB000  }
0x70: {  	[tilespmem:s14], [sflag:$0xC] =	stream.linear.gather [hbm4b:s13+s12], $0x5000, $0x38;
	[tilespmem:$0x1EA80] =	vst v63  }
0x71: {  	_ =	swait.ge [sflag:s18], $0x5000  }
0x72: {  	[sflag:s18] =	ssyncset.done $0x0  }
0x73: {  	[sflag:s18] =	ssyncadd.s32 $0xFFFFB000  }
0x74: {  	[tilespmem:s17], [sflag:$0x1] =	stream.indirect.gather [hbm4b:s5+s21], $0x40, s12, s21, $0xb8;
	[tilespmem:$0x1EA80] =	vst v63  }
0x75: {  	_ = 	snop  }
0x76: {  	[tilespmem:s22], [sflag:$0x2] =	stream.indirect.gather [hbm4b:s5+s21], $0x40, s21, s21, $0xb8;
	[tilespmem:$0x1EA80] =	vst v63  }
.Ltmp4:
0x77: {  	_ = 	snop;
	(pc) =	sbr.rel .LBB2_6-.Ltmp4, $4  }
0x78: {  	s15 =	simm.s32 $0x100  }
0x79: {  	[tilespmem:s24], [sflag:$0x3] =	stream.indirect.gather [hbm4b:s5+s21], $0x40, s15, s21, $0xb8;
	[tilespmem:$0x1EA80] =	vst v63  }
0x7a: {  	s16 =	simm.s32 $0x180  }
0x7b: {  	[tilespmem:s26], [sflag:$0x4] =	stream.indirect.gather [hbm4b:s5+s21], $0x40, s16, s21, $0xb8;
	[tilespmem:$0x1EA80] =	vst v63  }
.LBB2_7:
0x7c: {  	_ =	swait.ge [sflag:s30], $0x80  }
0x7d: {  	[sflag:s30] =	ssyncset.done $0x0  }
0x7e: {  	[sflag:s30] =	ssyncadd.s32 $0xFFFFFF80  }
.LBB2_9:
0x7f: {  	[spmem:s2] =	stream.indirect.scatter.add.f32 [tilespmem:s31], [sflag:$0xB], $0x1, s13, s21, $0xb8;
	[tilespmem:$0x1EA80] =	vst v63  }
.LBB2_10:
0x80: {  	_ =	swait.ge [sflag:s0], $0x2000  }
0x81: {  	[sflag:s0] =	ssyncset.done $0x0  }
0x82: {  	[sflag:s0] =	ssyncadd.s32 $0xFFFFE000  }
0x83: {  	p1 =	seq.s32 s12, $0x13600;
	_ =	swait.ge [sflag:s19], $0x2000  }
0x84: {  	s15 =	sshra.s32 @!p1 s12, $0x2;
	s16 =	simm.s32 @!p1 $0x80;
	[sflag:s19] =	ssyncset.done $0x0  }
0x85: {  	s9 =	simm.s32 @!p1 $0xA000;
	s14 =	sadd.s32 @!p1 $0x280, s15;
	[sflag:s19] =	ssyncadd.s32 $0xFFFFE000  }
0x86: {  	[tilespmem:s9], [sflag:$0x1] =	stream.indirect.gather @!p1 [hbm4b:s5+s16], $0x40, s14, s16, $0xb8;
	[tilespmem:$0x1EA80] =	vst v63  }
0x87: {  	s10 =	sadd.s32 $0x5080, s13;
	s14 =	simm.s32 @!p0 $0xB  }
0x88: {  	[spmem:s1] =	stream.indirect.scatter.add.f32 [tilespmem:s22], [sflag:$0x7], $0x40, s10, s21, $0xb8;
	[tilespmem:$0x1EA80] =	vst v63  }
0x89: {  	_ =	swait.ge @!p0 [sflag:s14], $0x80  }
0x8a: {  	s6 =	simm.s32 @!p0 $0x14000;
	s9 =	sshra.s32 @!p0 s12, $0x2;
	[sflag:s14] =	ssyncset.done @!p0 $0x0  }
0x8b: {  	s7 =	sadd.s32 @!p0 $0x80, s9;
	s10 =	simm.s32 @!p0 $0x80;
	[sflag:s14] =	ssyncadd.s32 @!p0 $0xFFFFFF80  }
0x8c: {  	[spmem:s2] =	stream.indirect.scatter.add.f32 @!p0 [tilespmem:s6], [sflag:$0xB], $0x1, s7, s10, $0xb8;
	[tilespmem:$0x1EA80] =	vst v63  }
0x8d: {  	_ =	swait.ge [sflag:s20], $0x2000  }
0x8e: {  	[sflag:s20] =	ssyncset.done $0x0  }
0x8f: {  	[sflag:s20] =	ssyncadd.s32 $0xFFFFE000  }
0x90: {  	_ =	swait.ge [sflag:s23], $0x2000  }
0x91: {  	[sflag:s23] =	ssyncset.done $0x0  }
0x92: {  	s11 =	simm.s32 @!p1 $0xC000;
	s7 =	sadd.s32 @!p1 $0x300, s15;
	[sflag:s23] =	ssyncadd.s32 $0xFFFFE000  }
0x93: {  	[tilespmem:s11], [sflag:$0x2] =	stream.indirect.gather @!p1 [hbm4b:s5+s16], $0x40, s7, s16, $0xb8;
	[tilespmem:$0x1EA80] =	vst v63  }
0x94: {  	s11 =	sadd.s32 $0x5100, s13  }
0x95: {  	[spmem:s1] =	stream.indirect.scatter.add.f32 [tilespmem:s24], [sflag:$0x8], $0x40, s11, s21, $0xb8;
	[tilespmem:$0x1EA80] =	vst v63  }
0x96: {  	_ =	swait.ge @!p0 [sflag:s14], $0x80  }
0x97: {  	[sflag:s14] =	ssyncset.done @!p0 $0x0  }
0x98: {  	s7 =	sadd.s32 @!p0 $0x100, s9;
	[sflag:s14] =	ssyncadd.s32 @!p0 $0xFFFFFF80  }
0x99: {  	[spmem:s2] =	stream.indirect.scatter.add.f32 @!p0 [tilespmem:s6], [sflag:$0xB], $0x1, s7, s10, $0xb8;
	[tilespmem:$0x1EA80] =	vst v63  }
0x9a: {  	_ =	swait.ge [sflag:s25], $0x2000  }
0x9b: {  	[sflag:s25] =	ssyncset.done $0x0  }
0x9c: {  	[sflag:s25] =	ssyncadd.s32 $0xFFFFE000  }
0x9d: {  	_ =	swait.ge [sflag:s4], $0x2000  }
0x9e: {  	[sflag:s4] =	ssyncset.done $0x0  }
0x9f: {  	s11 =	simm.s32 @!p1 $0xE000;
	s7 =	sadd.s32 @!p1 $0x380, s15;
	[sflag:s4] =	ssyncadd.s32 $0xFFFFE000  }
0xa0: {  	[tilespmem:s11], [sflag:$0x3] =	stream.indirect.gather @!p1 [hbm4b:s5+s16], $0x40, s7, s16, $0xb8;
	[tilespmem:$0x1EA80] =	vst v63  }
0xa1: {  	s11 =	sadd.s32 $0x5180, s13  }
0xa2: {  	[spmem:s1] =	stream.indirect.scatter.add.f32 [tilespmem:s26], [sflag:$0x9], $0x40, s11, s21, $0xb8;
	[tilespmem:$0x1EA80] =	vst v63  }
0xa3: {  	_ =	swait.ge @!p0 [sflag:s14], $0x80  }
0xa4: {  	[sflag:s14] =	ssyncset.done @!p0 $0x0  }
0xa5: {  	s7 =	sadd.s32 @!p0 $0x180, s9;
	[sflag:s14] =	ssyncadd.s32 @!p0 $0xFFFFFF80  }
0xa6: {  	[spmem:s2] =	stream.indirect.scatter.add.f32 @!p0 [tilespmem:s6], [sflag:$0xB], $0x1, s7, s10, $0xb8;
	[tilespmem:$0x1EA80] =	vst v63  }
0xa7: {  	_ =	swait.ge [sflag:s3], $0x2000  }
0xa8: {  	[sflag:s3] =	ssyncset.done $0x0  }
0xa9: {  	[sflag:s3] =	ssyncadd.s32 $0xFFFFE000  }
0xaa: {  	_ =	swait.ge [sflag:s8], $0x2000  }
0xab: {  	s12 =	sadd.s32 $0xA00, s12;
	[sflag:s8] =	ssyncset.done $0x0  }
0xac: {  	s11 =	simm.s32 @!p1 $0x10000;
	s7 =	sadd.s32 @!p1 $0x400, s15;
	[sflag:s8] =	ssyncadd.s32 $0xFFFFE000  }
0xad: {  	[tilespmem:s11], [sflag:$0x4] =	stream.indirect.gather @!p1 [hbm4b:s5+s16], $0x40, s7, s16, $0xb8;
	[tilespmem:$0x1EA80] =	vst v63  }
0xae: {  	s16 =	sadd.s32 $0x5200, s13;
	p1 =	sne.s32 s12, $0x14000  }
0xaf: {  	[spmem:s1] =	stream.indirect.scatter.add.f32 [tilespmem:s29], [sflag:$0xA], $0x40, s16, s21, $0xb8;
	[tilespmem:$0x1EA80] =	vst v63  }
.Ltmp5:
0xb0: {  	_ = 	snop;
	(pc) =	sbr.rel @!p1 .LBB2_11-.Ltmp5, $4  }
0xb1: {  	_ =	swait.ge @!p0 [sflag:s14], $0x80  }
0xb2: {  	[sflag:s14] =	ssyncset.done @!p0 $0x0  }
0xb3: {  	s7 =	sadd.s32 @!p0 $0x200, s9;
	[sflag:s14] =	ssyncadd.s32 @!p0 $0xFFFFFF80  }
0xb4: {  	[spmem:s2] =	stream.indirect.scatter.add.f32 @!p0 [tilespmem:s6], [sflag:$0xB], $0x1, s7, s10, $0xb8;
	[tilespmem:$0x1EA80] =	vst v63  }
.LBB2_6:
0xb5: {  	_ =	swait.ge [sflag:s28], $0x2000  }
0xb6: {  	p1 =	seq.s32 s12, $0x0;
	[sflag:s28] =	ssyncset.done $0x0  }
0xb7: {  	s14 =	simm.s32 @!p1 $0xA;
	[sflag:s28] =	ssyncadd.s32 $0xFFFFE000  }
0xb8: {  	_ =	swait.ge @!p1 [sflag:s14], $0x2000  }
0xb9: {  	[sflag:s14] =	ssyncset.done @!p1 $0x0  }
0xba: {  	[sflag:s14] =	ssyncadd.s32 @!p1 $0xFFFFE000;
	p1 =	seq.s32 @!p0 s12, $0x0  }
0xbb: {  	p1 =	por p0, p1  }
.Ltmp6:
0xbc: {  	s13 =	sshra.s32 s12, $0x2;
	(pc) =	sbr.rel @!p1 .LBB2_7-.Ltmp6, $4  }
0xbd: {  	s15 =	sadd.s32 $0x200, s13  }
0xbe: {  	[tilespmem:s29], [sflag:$0x5] =	stream.indirect.gather [hbm4b:s5+s21], $0x40, s15, s21, $0xb8;
	[tilespmem:$0x1EA80] =	vst v63  }
0xbf: {  	s16 =	sadd.s32 $0x5000, s13  }
0xc0: {  	[spmem:s1] =	stream.indirect.scatter.add.f32 [tilespmem:s17], [sflag:$0x6], $0x40, s16, s21, $0xb8;
	[tilespmem:$0x1EA80] =	vst v63  }
.Ltmp7:
0xc1: {  	(pc) =	sbr.rel @p0 .LBB2_10-.Ltmp7, $4  }
.Ltmp8:
0xc2: {  	(pc) =	sbr.rel @!p0 .LBB2_9-.Ltmp8, $4  }
0xc3: {  	_ = 	snop  }
0xc4: {  	_ = 	snop  }
0xc5: {  	_ = 	snop  }
0xc6: {  	_ = 	snop  }
.LBB2_12:
0xc7: {  	_ =	sfence.sel $0x180000  }
0xc8: {  	[bflag:$0x0] =	sbarrier.arrive $0xFFFF  }
0xc9: {  	_ =	strace $0x90000047  }
0xca: {  	[bflag:$0x2] =	sbarrier.arrive $0xFFFF  }
0xcb: {  	p0 =	sne.s32 s10, $0x0;
	s0 =	rddreg [dreg:$0x3]  }
0xcc: {  	s0 =	sadd.s32 @!p0 $0x100000, s0  }
0xcd: {  	[sflag:s0] =	ssyncadd.tile.s32 @!p0 $0x1;
	_ =	shalt  }
.Lfunc_end2:
_tile_overlayer_lowered:
.L_overlay_start_2:
0xce: {  	(tag) =	ssettag $0x2  }
0xcf: {  	s0 =	rddreg [dreg:$0x0];
	s2 =	stileid.u32  }
0xd0: {  	s1 =	rddreg [dreg:$0x1];
	p0 =	sne.s32 s2, $0x0  }
0xd1: {  	s3 =	rddreg [dreg:$0x2];
	[bflag:$0x3] =	sbarrier.arrive $0xFFFF;
	s2 =	simm.s32 @!p0 $0x1C0C  }
0xd2: {  	[timem:s3], [sflag:s2] =	dma.local @!p0 [hbm:s0], s1  }
0xd3: {  	s0 =	simm.s32 @!p0 $0xC  }
0xd4: {  	_ =	swait.ge @!p0 [sflag:s0], s1  }
0xd5: {  	s1 =	ssub.s32 @!p0 $0x0, s1;
	[sflag:s0] =	ssyncset.done @!p0 $0x0  }
0xd6: {  	[sflag:s0] =	ssyncadd.s32 @!p0 s1  }
0xd7: {  	[bflag:$0x3] =	sbarrier.arrive $0xFFFF  }
0xd8: {  	_ =	shalt  }

</sc_bundles>
